<compile_context>
chip_gen: v7x
topology: tpu7x:2x2x1
jax: 0.10.2.dev20260603
libtpu: 0.0.44.dev20260713+nightly
codegen_flags: <defaults>
</compile_context>

<pallas_src>
import functools
from math import sqrt

import jax
import jax.numpy as jnp
from jax import lax
from jax.experimental import pallas as pl
from jax.experimental.pallas import tpu as pltpu
from jax.experimental.pallas import tpu_sc as plsc

D_MODEL = 768
SCALE = sqrt(D_MODEL)
LANES = 16
VECS_PER_ROW = D_MODEL // LANES

NUM_CORES = 2
NUM_SUBCORES = 16
NW = NUM_CORES * NUM_SUBCORES

B = 4 * 4096
B_PER_W = B // NW
CH = 64
NCH = B_PER_W // CH
X_COLS = 4096
W_PER_ROW = X_COLS // B_PER_W

_mesh = plsc.VectorSubcoreMesh(
    core_axis_name="c", subcore_axis_name="s", num_cores=NUM_CORES
)


@functools.partial(
    pl.kernel,
    out_type=jax.ShapeDtypeStruct((B, D_MODEL), jnp.float32),
    mesh=_mesh,
    scratch_types=[
        pltpu.VMEM((B_PER_W,), jnp.int32),
        pltpu.VMEM((CH, D_MODEL), jnp.float32),
        pltpu.VMEM((CH, D_MODEL), jnp.float32),
        pltpu.SemaphoreType.DMA,
    ],
)
def _emb_lookup(idx_hbm, table_hbm, out_hbm, idx_v, buf0, buf1, gsem):
    wid = lax.axis_index("s") * NUM_CORES + lax.axis_index("c")
    base = wid * B_PER_W

    w_row = wid // W_PER_ROW
    w_col = (wid % W_PER_ROW) * B_PER_W
    pltpu.sync_copy(idx_hbm.at[w_row, pl.ds(w_col, B_PER_W)], idx_v)

    bufs = (buf0, buf1)

    def gather(j, buf):
        half = CH // 2
        for p in range(2):
            pltpu.async_copy(
                table_hbm.at[idx_v.at[pl.ds(j * CH + p * half, half)]],
                buf.at[pl.ds(p * half, half)], gsem,
            )

    gather(0, buf0)
    gather(1, buf1)

    @pl.loop(0, NCH, step=2)
    def _chunk_pair(j):
        for b, buf in enumerate(bufs):
            jj = j + b
            pltpu.make_async_copy(
                table_hbm.at[idx_v.at[pl.ds(0, CH)]], buf, gsem
            ).wait()

            @pl.loop(0, CH)
            def _scale_row(r, buf=buf):
                for c in range(VECS_PER_ROW):
                    sl = (r, pl.ds(c * LANES, LANES))
                    buf[sl] = buf[sl] * SCALE

            pltpu.sync_copy(buf, out_hbm.at[pl.ds(base + jj * CH, CH)])

            @pl.when(jj + 2 < NCH)
            def _prefetch(jj=jj, buf=buf):
                gather(jj + 2, buf)


def kernel(x, table):
    out = _emb_lookup(x.astype(jnp.int32), table)
    return out.reshape(x.shape[0], x.shape[1], D_MODEL)

# --- scband reference (transcript-rebuilt; emitter-appended) ---
"""Pipeline reference for scband-input-embedding-80161269613124 (READ-ONLY COPY).

The authoritative reference and input builder live on the scoring server;
editing this copy changes nothing except your own understanding.
"""

import jax, jax.numpy as jnp
import numpy as np
from math import sqrt

D_MODEL = 768
VOCAB = 100000

def setup_inputs(seed: int = 0) -> dict:
    key = jax.random.key(seed)
    k1, k2 = jax.random.split(key)
    x = jax.random.randint(k1, (4, 4096), 0, VOCAB, dtype=jnp.int64) if jax.config.read('jax_enable_x64') else jax.random.randint(k1, (4, 4096), 0, VOCAB, dtype=jnp.int32)
    table = jax.random.normal(k2, (VOCAB, D_MODEL), dtype=jnp.float32)
    return {"x": x, "table": table}

def reference(x, table):
    # nn.Embedding lookup followed by sqrt(d_model) scaling
    emb = jnp.take(table, x, axis=0)
    return emb * sqrt(D_MODEL)

if __name__ == "__main__":
    import jax
    _d = setup_inputs()
    print(jax.jit(kernel)(*tuple(_d.values())))

</pallas_src>

<mosaic_0001>
#map = affine_map<(d0, d1) -> (0, 0)>
module attributes {stable_mosaic.version = 14 : i64} {
  func.func @_emb_lookup(%arg0: i32, %arg1: i32, %arg2: memref<4x4096xi32, #tpu.memory_space<hbm>>, %arg3: memref<100000x768xf32, #tpu.memory_space<hbm>>, %arg4: memref<16384x768xf32, #tpu.memory_space<hbm>>, %arg5: memref<512xi32, #tpu.memory_space<vmem>>, %arg6: memref<64x768xf32, #tpu.memory_space<vmem>>, %arg7: memref<64x768xf32, #tpu.memory_space<vmem>>, %arg8: memref<!tpu.dma_semaphore, #tpu.memory_space<semaphore_mem>>) attributes {dimension_semantics = [#tpu.dimension_semantics<core_parallel>, #tpu.dimension_semantics<subcore_parallel>], iteration_bounds = array<i64: 2, 16>, scalar_prefetch = 0 : i64, scratch_operands = 4 : i64, tpu.core_type = #tpu.core_type<sc_vector_subcore>, window_params = [{transform_indices = #map}, {transform_indices = #map}, {transform_indices = #map}]} {
    %mul3A = arith.constant 2 : i32
    %mul3A_0 = arith.muli %arg1, %mul3A : i32
    %add3A = arith.addi %mul3A_0, %arg0 : i32
    %mul3A_1 = arith.constant 512 : i32
    %mul3A_2 = arith.muli %add3A, %mul3A_1 : i32
    %jit3A = arith.constant 8 : i32
    %div3A = arith.divsi %add3A, %jit3A : i32
    %sign3A = arith.constant 0 : i32
    %sign3A_3 = arith.cmpi sgt, %add3A, %sign3A : i32
    %sign3A_4 = arith.extui %sign3A_3 : i1 to i32
    %sign3A_5 = arith.constant 0 : i32
    %sign3A_6 = arith.cmpi slt, %add3A, %sign3A_5 : i32
    %sign3A_7 = arith.extui %sign3A_6 : i1 to i32
    %sign3A_8 = arith.subi %sign3A_4, %sign3A_7 : i32
    %sign3A_9 = arith.constant 0 : i32
    %sign3A_10 = arith.cmpi sgt, %jit3A, %sign3A_9 : i32
    %sign3A_11 = arith.extui %sign3A_10 : i1 to i32
    %sign3A_12 = arith.constant 0 : i32
    %sign3A_13 = arith.cmpi slt, %jit3A, %sign3A_12 : i32
    %sign3A_14 = arith.extui %sign3A_13 : i1 to i32
    %sign3A_15 = arith.subi %sign3A_11, %sign3A_14 : i32
    %ne3A = arith.cmpi ne, %sign3A_8, %sign3A_15 : i32
    %rem3A = arith.remsi %add3A, %jit3A : i32
    %ne3A_16 = arith.constant 0 : i32
    %ne3A_17 = arith.cmpi ne, %rem3A, %ne3A_16 : i32
    %and3A = arith.andi %ne3A, %ne3A_17 : i1
    %sub3A = arith.constant 1 : i32
    %sub3A_18 = arith.subi %div3A, %sub3A : i32
    %select_n3A = arith.select %and3A, %sub3A_18, %div3A : i32
    %jit3A_19 = arith.constant 8 : i32
    %eq3A = arith.constant 0 : i32
    %eq3A_20 = arith.cmpi eq, %jit3A_19, %eq3A : i32
    %jit3A_21 = arith.constant 1 : i32
    %select_n3A_22 = arith.select %eq3A_20, %jit3A_21, %jit3A_19 : i32
    %rem3A_23 = arith.remsi %add3A, %select_n3A_22 : i32
    %ne3A_24 = arith.constant 0 : i32
    %ne3A_25 = arith.cmpi ne, %rem3A_23, %ne3A_24 : i32
    %lt3A = arith.constant 0 : i32
    %lt3A_26 = arith.cmpi slt, %rem3A_23, %lt3A : i32
    %lt3A_27 = arith.constant 0 : i32
    %lt3A_28 = arith.cmpi slt, %select_n3A_22, %lt3A_27 : i32
    %ne3A_29 = arith.xori %lt3A_26, %lt3A_28 : i1
    %and3A_30 = arith.andi %ne3A_29, %ne3A_25 : i1
    %add3A_31 = arith.addi %rem3A_23, %select_n3A_22 : i32
    %select_n3A_32 = arith.select %and3A_30, %add3A_31, %rem3A_23 : i32
    %mul3A_33 = arith.constant 512 : i32
    %mul3A_34 = arith.muli %select_n3A_32, %mul3A_33 : i32
    "tpu.region"() ({
      %run_scoped3A = tpu.sem_alloc : memref<!tpu.dma_semaphore, #tpu.memory_space<semaphore_mem>>
      %dma_start3A_70 = tpu.memref_slice %arg2[%select_n3A, %mul3A_34] : memref<4x4096xi32, #tpu.memory_space<hbm>> -> memref<1x512xi32, #tpu.memory_space<hbm>>
      %dma_start3A_71 = tpu.memref_squeeze %dma_start3A_70 : memref<1x512xi32, #tpu.memory_space<hbm>> -> memref<512xi32, #tpu.memory_space<hbm>>
      %dma_start3A_72 = tpu.memref_slice %arg2[%select_n3A, %mul3A_34] : memref<4x4096xi32, #tpu.memory_space<hbm>> -> memref<1x512xi32, #tpu.memory_space<hbm>>
      %dma_start3A_73 = tpu.memref_squeeze %dma_start3A_72 : memref<1x512xi32, #tpu.memory_space<hbm>> -> memref<512xi32, #tpu.memory_space<hbm>>
      tpu.enqueue_dma source(%dma_start3A_73 : memref<512xi32, #tpu.memory_space<hbm>>) target(%arg5 : memref<512xi32, #tpu.memory_space<vmem>>) target_semaphore(%run_scoped3A : memref<!tpu.dma_semaphore, #tpu.memory_space<semaphore_mem>>)
      %dma_wait3A = tpu.memref_slice %arg2[%select_n3A, %mul3A_34] : memref<4x4096xi32, #tpu.memory_space<hbm>> -> memref<1x512xi32, #tpu.memory_space<hbm>>
      %dma_wait3A_74 = tpu.memref_squeeze %dma_wait3A : memref<1x512xi32, #tpu.memory_space<hbm>> -> memref<512xi32, #tpu.memory_space<hbm>>
      %dma_wait3A_75 = tpu.memref_slice %arg2[%select_n3A, %mul3A_34] : memref<4x4096xi32, #tpu.memory_space<hbm>> -> memref<1x512xi32, #tpu.memory_space<hbm>>
      %dma_wait3A_76 = tpu.memref_squeeze %dma_wait3A_75 : memref<1x512xi32, #tpu.memory_space<hbm>> -> memref<512xi32, #tpu.memory_space<hbm>>
      tpu.wait_dma2 semaphore(%run_scoped3A : memref<!tpu.dma_semaphore, #tpu.memory_space<semaphore_mem>>) src(%dma_wait3A_76 : memref<512xi32, #tpu.memory_space<hbm>>) dst(%arg5 : memref<512xi32, #tpu.memory_space<vmem>>)
      tpu.yield
    }) : () -> ()
    %dma_start3A = arith.constant 0 : i32
    %dma_start3A_35 = arith.constant 0 : i32
    %dma_start3A_36 = tpu.memref_slice %arg6[%dma_start3A, %dma_start3A_35] : memref<64x768xf32, #tpu.memory_space<vmem>> -> memref<32x768xf32, #tpu.memory_space<vmem>>
    %dma_start3A_37 = arith.constant 0 : i32
    %dma_start3A_38 = tpu.memref_slice %arg5[%dma_start3A_37] : memref<512xi32, #tpu.memory_space<vmem>> -> memref<32xi32, #tpu.memory_space<vmem>>
    %dma_start3A_39 = arith.constant 0 : i32
    %dma_start3A_40 = arith.constant 0 : i32
    %dma_start3A_41 = tpu.memref_slice %arg3[%dma_start3A_39, %dma_start3A_40] : memref<100000x768xf32, #tpu.memory_space<hbm>> -> memref<100000x768xf32, #tpu.memory_space<hbm>>
    tpu.enqueue_indirect_dma source(%dma_start3A_41 : memref<100000x768xf32, #tpu.memory_space<hbm>>) target(%dma_start3A_36 : memref<32x768xf32, #tpu.memory_space<vmem>>) offsets(%dma_start3A_38 : memref<32xi32, #tpu.memory_space<vmem>>) semaphore(%arg8 : memref<!tpu.dma_semaphore, #tpu.memory_space<semaphore_mem>>)
    %dma_start3A_42 = arith.constant 32 : i32
    %dma_start3A_43 = arith.constant 0 : i32
    %dma_start3A_44 = tpu.memref_slice %arg6[%dma_start3A_42, %dma_start3A_43] : memref<64x768xf32, #tpu.memory_space<vmem>> -> memref<32x768xf32, #tpu.memory_space<vmem>>
    %dma_start3A_45 = arith.constant 32 : i32
    %dma_start3A_46 = tpu.memref_slice %arg5[%dma_start3A_45] : memref<512xi32, #tpu.memory_space<vmem>> -> memref<32xi32, #tpu.memory_space<vmem>>
    %dma_start3A_47 = arith.constant 0 : i32
    %dma_start3A_48 = arith.constant 0 : i32
    %dma_start3A_49 = tpu.memref_slice %arg3[%dma_start3A_47, %dma_start3A_48] : memref<100000x768xf32, #tpu.memory_space<hbm>> -> memref<100000x768xf32, #tpu.memory_space<hbm>>
    tpu.enqueue_indirect_dma source(%dma_start3A_49 : memref<100000x768xf32, #tpu.memory_space<hbm>>) target(%dma_start3A_44 : memref<32x768xf32, #tpu.memory_space<vmem>>) offsets(%dma_start3A_46 : memref<32xi32, #tpu.memory_space<vmem>>) semaphore(%arg8 : memref<!tpu.dma_semaphore, #tpu.memory_space<semaphore_mem>>)
    %dma_start3A_50 = arith.constant 0 : i32
    %dma_start3A_51 = arith.constant 0 : i32
    %dma_start3A_52 = tpu.memref_slice %arg7[%dma_start3A_50, %dma_start3A_51] : memref<64x768xf32, #tpu.memory_space<vmem>> -> memref<32x768xf32, #tpu.memory_space<vmem>>
    %dma_start3A_53 = arith.constant 64 : i32
    %dma_start3A_54 = tpu.memref_slice %arg5[%dma_start3A_53] : memref<512xi32, #tpu.memory_space<vmem>> -> memref<32xi32, #tpu.memory_space<vmem>>
    %dma_start3A_55 = arith.constant 0 : i32
    %dma_start3A_56 = arith.constant 0 : i32
    %dma_start3A_57 = tpu.memref_slice %arg3[%dma_start3A_55, %dma_start3A_56] : memref<100000x768xf32, #tpu.memory_space<hbm>> -> memref<100000x768xf32, #tpu.memory_space<hbm>>
    tpu.enqueue_indirect_dma source(%dma_start3A_57 : memref<100000x768xf32, #tpu.memory_space<hbm>>) target(%dma_start3A_52 : memref<32x768xf32, #tpu.memory_space<vmem>>) offsets(%dma_start3A_54 : memref<32xi32, #tpu.memory_space<vmem>>) semaphore(%arg8 : memref<!tpu.dma_semaphore, #tpu.memory_space<semaphore_mem>>)
    %dma_start3A_58 = arith.constant 32 : i32
    %dma_start3A_59 = arith.constant 0 : i32
    %dma_start3A_60 = tpu.memref_slice %arg7[%dma_start3A_58, %dma_start3A_59] : memref<64x768xf32, #tpu.memory_space<vmem>> -> memref<32x768xf32, #tpu.memory_space<vmem>>
    %dma_start3A_61 = arith.constant 96 : i32
    %dma_start3A_62 = tpu.memref_slice %arg5[%dma_start3A_61] : memref<512xi32, #tpu.memory_space<vmem>> -> memref<32xi32, #tpu.memory_space<vmem>>
    %dma_start3A_63 = arith.constant 0 : i32
    %dma_start3A_64 = arith.constant 0 : i32
    %dma_start3A_65 = tpu.memref_slice %arg3[%dma_start3A_63, %dma_start3A_64] : memref<100000x768xf32, #tpu.memory_space<hbm>> -> memref<100000x768xf32, #tpu.memory_space<hbm>>
    tpu.enqueue_indirect_dma source(%dma_start3A_65 : memref<100000x768xf32, #tpu.memory_space<hbm>>) target(%dma_start3A_60 : memref<32x768xf32, #tpu.memory_space<vmem>>) offsets(%dma_start3A_62 : memref<32xi32, #tpu.memory_space<vmem>>) semaphore(%arg8 : memref<!tpu.dma_semaphore, #tpu.memory_space<semaphore_mem>>)
    %scan3A = arith.constant 0 : i32
    %scan3A_66 = arith.constant 4 : i32
    %scan3A_67 = arith.addi %scan3A, %scan3A_66 : i32
    %scan3A_68 = arith.constant 1 : i32
    scf.for %scan3A_70 = %scan3A to %scan3A_67 step %scan3A_68  : i32 {
      %mul3A_71 = arith.constant 2 : i32
      %mul3A_72 = arith.muli %scan3A_70, %mul3A_71 : i32
      %add3A_73 = arith.constant 0 : i32
      %add3A_74 = arith.addi %add3A_73, %mul3A_72 : i32
      %add3A_75 = arith.constant 0 : i32
      %add3A_76 = arith.addi %add3A_74, %add3A_75 : i32
      %dma_wait3A = arith.constant 0 : i32
      %dma_wait3A_77 = tpu.memref_slice %arg5[%dma_wait3A] : memref<512xi32, #tpu.memory_space<vmem>> -> memref<64xi32, #tpu.memory_space<vmem>>
      %dma_wait3A_78 = arith.constant 0 : i32
      %dma_wait3A_79 = arith.constant 0 : i32
      %dma_wait3A_80 = tpu.memref_slice %arg3[%dma_wait3A_78, %dma_wait3A_79] : memref<100000x768xf32, #tpu.memory_space<hbm>> -> memref<100000x768xf32, #tpu.memory_space<hbm>>
      tpu.wait_indirect_dma semaphore(%arg8 : memref<!tpu.dma_semaphore, #tpu.memory_space<semaphore_mem>>) src(%dma_wait3A_80 : memref<100000x768xf32, #tpu.memory_space<hbm>>) dst(%arg6 : memref<64x768xf32, #tpu.memory_space<vmem>>)
      %scan3A_81 = arith.constant 0 : i32
      %scan3A_82 = arith.constant 64 : i32
      %scan3A_83 = arith.addi %scan3A_81, %scan3A_82 : i32
      %scan3A_84 = arith.constant 1 : i32
      scf.for %scan3A_116 = %scan3A_81 to %scan3A_83 step %scan3A_84  : i32 {
        %mul3A_117 = arith.constant 1 : i32
        %mul3A_118 = arith.muli %scan3A_116, %mul3A_117 : i32
        %add3A_119 = arith.constant 0 : i32
        %add3A_120 = arith.addi %add3A_119, %mul3A_118 : i32
        %get3A = arith.index_cast %add3A_120 : i32 to index
        %get3A_121 = arith.constant 0 : index
        %get3A_122 = tpu.vector_load %arg6[%get3A, %get3A_121] {strides = array<i32>} : memref<64x768xf32, #tpu.memory_space<vmem>>, vector<1x16xf32>,
        %get3A_123 = vector.shape_cast %get3A_122 : vector<1x16xf32> to vector<16xf32>
        %mul3A_124 = arith.constant 27.7128124 : f32
        %mul3A_125 = vector.broadcast %mul3A_124 : f32 to vector<16xf32>
        %mul3A_126 = arith.mulf %get3A_123, %mul3A_125 : vector<16xf32>
        %swap3A = arith.index_cast %add3A_120 : i32 to index
        %swap3A_127 = arith.constant 0 : index
        %swap3A_128 = tpu.vector_load %arg6[%swap3A, %swap3A_127] {strides = array<i32>} : memref<64x768xf32, #tpu.memory_space<vmem>>, vector<1x16xf32>,
        %swap3A_129 = vector.shape_cast %swap3A_128 : vector<1x16xf32> to vector<16xf32>
        %swap3A_130 = vector.shape_cast %mul3A_126 : vector<16xf32> to vector<1x16xf32>
        tpu.vector_store %arg6[%swap3A, %swap3A_127], %swap3A_130 {strides = array<i32>} : memref<64x768xf32, #tpu.memory_space<vmem>>, vector<1x16xf32>,
        %get3A_131 = arith.index_cast %add3A_120 : i32 to index
        %get3A_132 = arith.constant 16 : index
        %get3A_133 = tpu.vector_load %arg6[%get3A_131, %get3A_132] {strides = array<i32>} : memref<64x768xf32, #tpu.memory_space<vmem>>, vector<1x16xf32>,
        %get3A_134 = vector.shape_cast %get3A_133 : vector<1x16xf32> to vector<16xf32>
        %mul3A_135 = arith.constant 27.7128124 : f32
        %mul3A_136 = vector.broadcast %mul3A_135 : f32 to vector<16xf32>
        %mul3A_137 = arith.mulf %get3A_134, %mul3A_136 : vector<16xf32>
        %swap3A_138 = arith.index_cast %add3A_120 : i32 to index
        %swap3A_139 = arith.constant 16 : index
        %swap3A_140 = tpu.vector_load %arg6[%swap3A_138, %swap3A_139] {strides = array<i32>} : memref<64x768xf32, #tpu.memory_space<vmem>>, vector<1x16xf32>,
        %swap3A_141 = vector.shape_cast %swap3A_140 : vector<1x16xf32> to vector<16xf32>
        %swap3A_142 = vector.shape_cast %mul3A_137 : vector<16xf32> to vector<1x16xf32>
        tpu.vector_store %arg6[%swap3A_138, %swap3A_139], %swap3A_142 {strides = array<i32>} : memref<64x768xf32, #tpu.memory_space<vmem>>, vector<1x16xf32>,
        %get3A_143 = arith.index_cast %add3A_120 : i32 to index
        %get3A_144 = arith.constant 32 : index
        %get3A_145 = tpu.vector_load %arg6[%get3A_143, %get3A_144] {strides = array<i32>} : memref<64x768xf32, #tpu.memory_space<vmem>>, vector<1x16xf32>,
        %get3A_146 = vector.shape_cast %get3A_145 : vector<1x16xf32> to vector<16xf32>
        %mul3A_147 = arith.constant 27.7128124 : f32
        %mul3A_148 = vector.broadcast %mul3A_147 : f32 to vector<16xf32>
        %mul3A_149 = arith.mulf %get3A_146, %mul3A_148 : vector<16xf32>
        %swap3A_150 = arith.index_cast %add3A_120 : i32 to index
        %swap3A_151 = arith.constant 32 : index
        %swap3A_152 = tpu.vector_load %arg6[%swap3A_150, %swap3A_151] {strides = array<i32>} : memref<64x768xf32, #tpu.memory_space<vmem>>, vector<1x16xf32>,
        %swap3A_153 = vector.shape_cast %swap3A_152 : vector<1x16xf32> to vector<16xf32>
        %swap3A_154 = vector.shape_cast %mul3A_149 : vector<16xf32> to vector<1x16xf32>
        tpu.vector_store %arg6[%swap3A_150, %swap3A_151], %swap3A_154 {strides = array<i32>} : memref<64x768xf32, #tpu.memory_space<vmem>>, vector<1x16xf32>,
        %get3A_155 = arith.index_cast %add3A_120 : i32 to index
        %get3A_156 = arith.constant 48 : index
        %get3A_157 = tpu.vector_load %arg6[%get3A_155, %get3A_156] {strides = array<i32>} : memref<64x768xf32, #tpu.memory_space<vmem>>, vector<1x16xf32>,
        %get3A_158 = vector.shape_cast %get3A_157 : vector<1x16xf32> to vector<16xf32>
        %mul3A_159 = arith.constant 27.7128124 : f32
        %mul3A_160 = vector.broadcast %mul3A_159 : f32 to vector<16xf32>
        %mul3A_161 = arith.mulf %get3A_158, %mul3A_160 : vector<16xf32>
        %swap3A_162 = arith.index_cast %add3A_120 : i32 to index
        %swap3A_163 = arith.constant 48 : index
        %swap3A_164 = tpu.vector_load %arg6[%swap3A_162, %swap3A_163] {strides = array<i32>} : memref<64x768xf32, #tpu.memory_space<vmem>>, vector<1x16xf32>,
        %swap3A_165 = vector.shape_cast %swap3A_164 : vector<1x16xf32> to vector<16xf32>
        %swap3A_166 = vector.shape_cast %mul3A_161 : vector<16xf32> to vector<1x16xf32>
        tpu.vector_store %arg6[%swap3A_162, %swap3A_163], %swap3A_166 {strides = array<i32>} : memref<64x768xf32, #tpu.memory_space<vmem>>, vector<1x16xf32>,
        %get3A_167 = arith.index_cast %add3A_120 : i32 to index
        %get3A_168 = arith.constant 64 : index
        %get3A_169 = tpu.vector_load %arg6[%get3A_167, %get3A_168] {strides = array<i32>} : memref<64x768xf32, #tpu.memory_space<vmem>>, vector<1x16xf32>,
        %get3A_170 = vector.shape_cast %get3A_169 : vector<1x16xf32> to vector<16xf32>
        %mul3A_171 = arith.constant 27.7128124 : f32
        %mul3A_172 = vector.broadcast %mul3A_171 : f32 to vector<16xf32>
        %mul3A_173 = arith.mulf %get3A_170, %mul3A_172 : vector<16xf32>
        %swap3A_174 = arith.index_cast %add3A_120 : i32 to index
        %swap3A_175 = arith.constant 64 : index
        %swap3A_176 = tpu.vector_load %arg6[%swap3A_174, %swap3A_175] {strides = array<i32>} : memref<64x768xf32, #tpu.memory_space<vmem>>, vector<1x16xf32>,
        %swap3A_177 = vector.shape_cast %swap3A_176 : vector<1x16xf32> to vector<16xf32>
        %swap3A_178 = vector.shape_cast %mul3A_173 : vector<16xf32> to vector<1x16xf32>
        tpu.vector_store %arg6[%swap3A_174, %swap3A_175], %swap3A_178 {strides = array<i32>} : memref<64x768xf32, #tpu.memory_space<vmem>>, vector<1x16xf32>,
        %get3A_179 = arith.index_cast %add3A_120 : i32 to index
        %get3A_180 = arith.constant 80 : index
        %get3A_181 = tpu.vector_load %arg6[%get3A_179, %get3A_180] {strides = array<i32>} : memref<64x768xf32, #tpu.memory_space<vmem>>, vector<1x16xf32>,
        %get3A_182 = vector.shape_cast %get3A_181 : vector<1x16xf32> to vector<16xf32>
        %mul3A_183 = arith.constant 27.7128124 : f32
        %mul3A_184 = vector.broadcast %mul3A_183 : f32 to vector<16xf32>
        %mul3A_185 = arith.mulf %get3A_182, %mul3A_184 : vector<16xf32>
        %swap3A_186 = arith.index_cast %add3A_120 : i32 to index
        %swap3A_187 = arith.constant 80 : index
        %swap3A_188 = tpu.vector_load %arg6[%swap3A_186, %swap3A_187] {strides = array<i32>} : memref<64x768xf32, #tpu.memory_space<vmem>>, vector<1x16xf32>,
        %swap3A_189 = vector.shape_cast %swap3A_188 : vector<1x16xf32> to vector<16xf32>
        %swap3A_190 = vector.shape_cast %mul3A_185 : vector<16xf32> to vector<1x16xf32>
        tpu.vector_store %arg6[%swap3A_186, %swap3A_187], %swap3A_190 {strides = array<i32>} : memref<64x768xf32, #tpu.memory_space<vmem>>, vector<1x16xf32>,
        %get3A_191 = arith.index_cast %add3A_120 : i32 to index
        %get3A_192 = arith.constant 96 : index
        %get3A_193 = tpu.vector_load %arg6[%get3A_191, %get3A_192] {strides = array<i32>} : memref<64x768xf32, #tpu.memory_space<vmem>>, vector<1x16xf32>,
        %get3A_194 = vector.shape_cast %get3A_193 : vector<1x16xf32> to vector<16xf32>
        %mul3A_195 = arith.constant 27.7128124 : f32
        %mul3A_196 = vector.broadcast %mul3A_195 : f32 to vector<16xf32>
        %mul3A_197 = arith.mulf %get3A_194, %mul3A_196 : vector<16xf32>
        %swap3A_198 = arith.index_cast %add3A_120 : i32 to index
        %swap3A_199 = arith.constant 96 : index
        %swap3A_200 = tpu.vector_load %arg6[%swap3A_198, %swap3A_199] {strides = array<i32>} : memref<64x768xf32, #tpu.memory_space<vmem>>, vector<1x16xf32>,
        %swap3A_201 = vector.shape_cast %swap3A_200 : vector<1x16xf32> to vector<16xf32>
        %swap3A_202 = vector.shape_cast %mul3A_197 : vector<16xf32> to vector<1x16xf32>
        tpu.vector_store %arg6[%swap3A_198, %swap3A_199], %swap3A_202 {strides = array<i32>} : memref<64x768xf32, #tpu.memory_space<vmem>>, vector<1x16xf32>,
        %get3A_203 = arith.index_cast %add3A_120 : i32 to index
        %get3A_204 = arith.constant 112 : index
        %get3A_205 = tpu.vector_load %arg6[%get3A_203, %get3A_204] {strides = array<i32>} : memref<64x768xf32, #tpu.memory_space<vmem>>, vector<1x16xf32>,
        %get3A_206 = vector.shape_cast %get3A_205 : vector<1x16xf32> to vector<16xf32>
        %mul3A_207 = arith.constant 27.7128124 : f32
        %mul3A_208 = vector.broadcast %mul3A_207 : f32 to vector<16xf32>
        %mul3A_209 = arith.mulf %get3A_206, %mul3A_208 : vector<16xf32>
        %swap3A_210 = arith.index_cast %add3A_120 : i32 to index
        %swap3A_211 = arith.constant 112 : index
        %swap3A_212 = tpu.vector_load %arg6[%swap3A_210, %swap3A_211] {strides = array<i32>} : memref<64x768xf32, #tpu.memory_space<vmem>>, vector<1x16xf32>,
        %swap3A_213 = vector.shape_cast %swap3A_212 : vector<1x16xf32> to vector<16xf32>
        %swap3A_214 = vector.shape_cast %mul3A_209 : vector<16xf32> to vector<1x16xf32>
        tpu.vector_store %arg6[%swap3A_210, %swap3A_211], %swap3A_214 {strides = array<i32>} : memref<64x768xf32, #tpu.memory_space<vmem>>, vector<1x16xf32>,
        %get3A_215 = arith.index_cast %add3A_120 : i32 to index
        %get3A_216 = arith.constant 128 : index
        %get3A_217 = tpu.vector_load %arg6[%get3A_215, %get3A_216] {strides = array<i32>} : memref<64x768xf32, #tpu.memory_space<vmem>>, vector<1x16xf32>,
        %get3A_218 = vector.shape_cast %get3A_217 : vector<1x16xf32> to vector<16xf32>
        %mul3A_219 = arith.constant 27.7128124 : f32
        %mul3A_220 = vector.broadcast %mul3A_219 : f32 to vector<16xf32>
        %mul3A_221 = arith.mulf %get3A_218, %mul3A_220 : vector<16xf32>
        %swap3A_222 = arith.index_cast %add3A_120 : i32 to index
        %swap3A_223 = arith.constant 128 : index
        %swap3A_224 = tpu.vector_load %arg6[%swap3A_222, %swap3A_223] {strides = array<i32>} : memref<64x768xf32, #tpu.memory_space<vmem>>, vector<1x16xf32>,
        %swap3A_225 = vector.shape_cast %swap3A_224 : vector<1x16xf32> to vector<16xf32>
        %swap3A_226 = vector.shape_cast %mul3A_221 : vector<16xf32> to vector<1x16xf32>
        tpu.vector_store %arg6[%swap3A_222, %swap3A_223], %swap3A_226 {strides = array<i32>} : memref<64x768xf32, #tpu.memory_space<vmem>>, vector<1x16xf32>,
        %get3A_227 = arith.index_cast %add3A_120 : i32 to index
        %get3A_228 = arith.constant 144 : index
        %get3A_229 = tpu.vector_load %arg6[%get3A_227, %get3A_228] {strides = array<i32>} : memref<64x768xf32, #tpu.memory_space<vmem>>, vector<1x16xf32>,
        %get3A_230 = vector.shape_cast %get3A_229 : vector<1x16xf32> to vector<16xf32>
        %mul3A_231 = arith.constant 27.7128124 : f32
        %mul3A_232 = vector.broadcast %mul3A_231 : f32 to vector<16xf32>
        %mul3A_233 = arith.mulf %get3A_230, %mul3A_232 : vector<16xf32>
        %swap3A_234 = arith.index_cast %add3A_120 : i32 to index
        %swap3A_235 = arith.constant 144 : index
        %swap3A_236 = tpu.vector_load %arg6[%swap3A_234, %swap3A_235] {strides = array<i32>} : memref<64x768xf32, #tpu.memory_space<vmem>>, vector<1x16xf32>,
        %swap3A_237 = vector.shape_cast %swap3A_236 : vector<1x16xf32> to vector<16xf32>
        %swap3A_238 = vector.shape_cast %mul3A_233 : vector<16xf32> to vector<1x16xf32>
        tpu.vector_store %arg6[%swap3A_234, %swap3A_235], %swap3A_238 {strides = array<i32>} : memref<64x768xf32, #tpu.memory_space<vmem>>, vector<1x16xf32>,
        %get3A_239 = arith.index_cast %add3A_120 : i32 to index
        %get3A_240 = arith.constant 160 : index
        %get3A_241 = tpu.vector_load %arg6[%get3A_239, %get3A_240] {strides = array<i32>} : memref<64x768xf32, #tpu.memory_space<vmem>>, vector<1x16xf32>,
        %get3A_242 = vector.shape_cast %get3A_241 : vector<1x16xf32> to vector<16xf32>
        %mul3A_243 = arith.constant 27.7128124 : f32
        %mul3A_244 = vector.broadcast %mul3A_243 : f32 to vector<16xf32>
        %mul3A_245 = arith.mulf %get3A_242, %mul3A_244 : vector<16xf32>
        %swap3A_246 = arith.index_cast %add3A_120 : i32 to index
        %swap3A_247 = arith.constant 160 : index
        %swap3A_248 = tpu.vector_load %arg6[%swap3A_246, %swap3A_247] {strides = array<i32>} : memref<64x768xf32, #tpu.memory_space<vmem>>, vector<1x16xf32>,
        %swap3A_249 = vector.shape_cast %swap3A_248 : vector<1x16xf32> to vector<16xf32>
        %swap3A_250 = vector.shape_cast %mul3A_245 : vector<16xf32> to vector<1x16xf32>
        tpu.vector_store %arg6[%swap3A_246, %swap3A_247], %swap3A_250 {strides = array<i32>} : memref<64x768xf32, #tpu.memory_space<vmem>>, vector<1x16xf32>,
        %get3A_251 = arith.index_cast %add3A_120 : i32 to index
        %get3A_252 = arith.constant 176 : index
        %get3A_253 = tpu.vector_load %arg6[%get3A_251, %get3A_252] {strides = array<i32>} : memref<64x768xf32, #tpu.memory_space<vmem>>, vector<1x16xf32>,
        %get3A_254 = vector.shape_cast %get3A_253 : vector<1x16xf32> to vector<16xf32>
        %mul3A_255 = arith.constant 27.7128124 : f32
        %mul3A_256 = vector.broadcast %mul3A_255 : f32 to vector<16xf32>
        %mul3A_257 = arith.mulf %get3A_254, %mul3A_256 : vector<16xf32>
        %swap3A_258 = arith.index_cast %add3A_120 : i32 to index
        %swap3A_259 = arith.constant 176 : index
        %swap3A_260 = tpu.vector_load %arg6[%swap3A_258, %swap3A_259] {strides = array<i32>} : memref<64x768xf32, #tpu.memory_space<vmem>>, vector<1x16xf32>,
        %swap3A_261 = vector.shape_cast %swap3A_260 : vector<1x16xf32> to vector<16xf32>
        %swap3A_262 = vector.shape_cast %mul3A_257 : vector<16xf32> to vector<1x16xf32>
        tpu.vector_store %arg6[%swap3A_258, %swap3A_259], %swap3A_262 {strides = array<i32>} : memref<64x768xf32, #tpu.memory_space<vmem>>, vector<1x16xf32>,
        %get3A_263 = arith.index_cast %add3A_120 : i32 to index
        %get3A_264 = arith.constant 192 : index
        %get3A_265 = tpu.vector_load %arg6[%get3A_263, %get3A_264] {strides = array<i32>} : memref<64x768xf32, #tpu.memory_space<vmem>>, vector<1x16xf32>,
        %get3A_266 = vector.shape_cast %get3A_265 : vector<1x16xf32> to vector<16xf32>
        %mul3A_267 = arith.constant 27.7128124 : f32
        %mul3A_268 = vector.broadcast %mul3A_267 : f32 to vector<16xf32>
        %mul3A_269 = arith.mulf %get3A_266, %mul3A_268 : vector<16xf32>
        %swap3A_270 = arith.index_cast %add3A_120 : i32 to index
        %swap3A_271 = arith.constant 192 : index
        %swap3A_272 = tpu.vector_load %arg6[%swap3A_270, %swap3A_271] {strides = array<i32>} : memref<64x768xf32, #tpu.memory_space<vmem>>, vector<1x16xf32>,
        %swap3A_273 = vector.shape_cast %swap3A_272 : vector<1x16xf32> to vector<16xf32>
        %swap3A_274 = vector.shape_cast %mul3A_269 : vector<16xf32> to vector<1x16xf32>
        tpu.vector_store %arg6[%swap3A_270, %swap3A_271], %swap3A_274 {strides = array<i32>} : memref<64x768xf32, #tpu.memory_space<vmem>>, vector<1x16xf32>,
        %get3A_275 = arith.index_cast %add3A_120 : i32 to index
        %get3A_276 = arith.constant 208 : index
        %get3A_277 = tpu.vector_load %arg6[%get3A_275, %get3A_276] {strides = array<i32>} : memref<64x768xf32, #tpu.memory_space<vmem>>, vector<1x16xf32>,
        %get3A_278 = vector.shape_cast %get3A_277 : vector<1x16xf32> to vector<16xf32>
        %mul3A_279 = arith.constant 27.7128124 : f32
        %mul3A_280 = vector.broadcast %mul3A_279 : f32 to vector<16xf32>
        %mul3A_281 = arith.mulf %get3A_278, %mul3A_280 : vector<16xf32>
        %swap3A_282 = arith.index_cast %add3A_120 : i32 to index
        %swap3A_283 = arith.constant 208 : index
        %swap3A_284 = tpu.vector_load %arg6[%swap3A_282, %swap3A_283] {strides = array<i32>} : memref<64x768xf32, #tpu.memory_space<vmem>>, vector<1x16xf32>,
        %swap3A_285 = vector.shape_cast %swap3A_284 : vector<1x16xf32> to vector<16xf32>
        %swap3A_286 = vector.shape_cast %mul3A_281 : vector<16xf32> to vector<1x16xf32>
        tpu.vector_store %arg6[%swap3A_282, %swap3A_283], %swap3A_286 {strides = array<i32>} : memref<64x768xf32, #tpu.memory_space<vmem>>, vector<1x16xf32>,
        %get3A_287 = arith.index_cast %add3A_120 : i32 to index
        %get3A_288 = arith.constant 224 : index
        %get3A_289 = tpu.vector_load %arg6[%get3A_287, %get3A_288] {strides = array<i32>} : memref<64x768xf32, #tpu.memory_space<vmem>>, vector<1x16xf32>,
        %get3A_290 = vector.shape_cast %get3A_289 : vector<1x16xf32> to vector<16xf32>
        %mul3A_291 = arith.constant 27.7128124 : f32
        %mul3A_292 = vector.broadcast %mul3A_291 : f32 to vector<16xf32>
        %mul3A_293 = arith.mulf %get3A_290, %mul3A_292 : vector<16xf32>
        %swap3A_294 = arith.index_cast %add3A_120 : i32 to index
        %swap3A_295 = arith.constant 224 : index
        %swap3A_296 = tpu.vector_load %arg6[%swap3A_294, %swap3A_295] {strides = array<i32>} : memref<64x768xf32, #tpu.memory_space<vmem>>, vector<1x16xf32>,
        %swap3A_297 = vector.shape_cast %swap3A_296 : vector<1x16xf32> to vector<16xf32>
        %swap3A_298 = vector.shape_cast %mul3A_293 : vector<16xf32> to vector<1x16xf32>
        tpu.vector_store %arg6[%swap3A_294, %swap3A_295], %swap3A_298 {strides = array<i32>} : memref<64x768xf32, #tpu.memory_space<vmem>>, vector<1x16xf32>,
        %get3A_299 = arith.index_cast %add3A_120 : i32 to index
        %get3A_300 = arith.constant 240 : index
        %get3A_301 = tpu.vector_load %arg6[%get3A_299, %get3A_300] {strides = array<i32>} : memref<64x768xf32, #tpu.memory_space<vmem>>, vector<1x16xf32>,
        %get3A_302 = vector.shape_cast %get3A_301 : vector<1x16xf32> to vector<16xf32>
        %mul3A_303 = arith.constant 27.7128124 : f32
        %mul3A_304 = vector.broadcast %mul3A_303 : f32 to vector<16xf32>
        %mul3A_305 = arith.mulf %get3A_302, %mul3A_304 : vector<16xf32>
        %swap3A_306 = arith.index_cast %add3A_120 : i32 to index
        %swap3A_307 = arith.constant 240 : index
        %swap3A_308 = tpu.vector_load %arg6[%swap3A_306, %swap3A_307] {strides = array<i32>} : memref<64x768xf32, #tpu.memory_space<vmem>>, vector<1x16xf32>,
        %swap3A_309 = vector.shape_cast %swap3A_308 : vector<1x16xf32> to vector<16xf32>
        %swap3A_310 = vector.shape_cast %mul3A_305 : vector<16xf32> to vector<1x16xf32>
        tpu.vector_store %arg6[%swap3A_306, %swap3A_307], %swap3A_310 {strides = array<i32>} : memref<64x768xf32, #tpu.memory_space<vmem>>, vector<1x16xf32>,
        %get3A_311 = arith.index_cast %add3A_120 : i32 to index
        %get3A_312 = arith.constant 256 : index
        %get3A_313 = tpu.vector_load %arg6[%get3A_311, %get3A_312] {strides = array<i32>} : memref<64x768xf32, #tpu.memory_space<vmem>>, vector<1x16xf32>,
        %get3A_314 = vector.shape_cast %get3A_313 : vector<1x16xf32> to vector<16xf32>
        %mul3A_315 = arith.constant 27.7128124 : f32
        %mul3A_316 = vector.broadcast %mul3A_315 : f32 to vector<16xf32>
        %mul3A_317 = arith.mulf %get3A_314, %mul3A_316 : vector<16xf32>
        %swap3A_318 = arith.index_cast %add3A_120 : i32 to index
        %swap3A_319 = arith.constant 256 : index
        %swap3A_320 = tpu.vector_load %arg6[%swap3A_318, %swap3A_319] {strides = array<i32>} : memref<64x768xf32, #tpu.memory_space<vmem>>, vector<1x16xf32>,
        %swap3A_321 = vector.shape_cast %swap3A_320 : vector<1x16xf32> to vector<16xf32>
        %swap3A_322 = vector.shape_cast %mul3A_317 : vector<16xf32> to vector<1x16xf32>
        tpu.vector_store %arg6[%swap3A_318, %swap3A_319], %swap3A_322 {strides = array<i32>} : memref<64x768xf32, #tpu.memory_space<vmem>>, vector<1x16xf32>,
        %get3A_323 = arith.index_cast %add3A_120 : i32 to index
        %get3A_324 = arith.constant 272 : index
        %get3A_325 = tpu.vector_load %arg6[%get3A_323, %get3A_324] {strides = array<i32>} : memref<64x768xf32, #tpu.memory_space<vmem>>, vector<1x16xf32>,
        %get3A_326 = vector.shape_cast %get3A_325 : vector<1x16xf32> to vector<16xf32>
        %mul3A_327 = arith.constant 27.7128124 : f32
        %mul3A_328 = vector.broadcast %mul3A_327 : f32 to vector<16xf32>
        %mul3A_329 = arith.mulf %get3A_326, %mul3A_328 : vector<16xf32>
        %swap3A_330 = arith.index_cast %add3A_120 : i32 to index
        %swap3A_331 = arith.constant 272 : index
        %swap3A_332 = tpu.vector_load %arg6[%swap3A_330, %swap3A_331] {strides = array<i32>} : memref<64x768xf32, #tpu.memory_space<vmem>>, vector<1x16xf32>,
        %swap3A_333 = vector.shape_cast %swap3A_332 : vector<1x16xf32> to vector<16xf32>
        %swap3A_334 = vector.shape_cast %mul3A_329 : vector<16xf32> to vector<1x16xf32>
        tpu.vector_store %arg6[%swap3A_330, %swap3A_331], %swap3A_334 {strides = array<i32>} : memref<64x768xf32, #tpu.memory_space<vmem>>, vector<1x16xf32>,
        %get3A_335 = arith.index_cast %add3A_120 : i32 to index
        %get3A_336 = arith.constant 288 : index
        %get3A_337 = tpu.vector_load %arg6[%get3A_335, %get3A_336] {strides = array<i32>} : memref<64x768xf32, #tpu.memory_space<vmem>>, vector<1x16xf32>,
        %get3A_338 = vector.shape_cast %get3A_337 : vector<1x16xf32> to vector<16xf32>
        %mul3A_339 = arith.constant 27.7128124 : f32
        %mul3A_340 = vector.broadcast %mul3A_339 : f32 to vector<16xf32>
        %mul3A_341 = arith.mulf %get3A_338, %mul3A_340 : vector<16xf32>
        %swap3A_342 = arith.index_cast %add3A_120 : i32 to index
        %swap3A_343 = arith.constant 288 : index
        %swap3A_344 = tpu.vector_load %arg6[%swap3A_342, %swap3A_343] {strides = array<i32>} : memref<64x768xf32, #tpu.memory_space<vmem>>, vector<1x16xf32>,
        %swap3A_345 = vector.shape_cast %swap3A_344 : vector<1x16xf32> to vector<16xf32>
        %swap3A_346 = vector.shape_cast %mul3A_341 : vector<16xf32> to vector<1x16xf32>
        tpu.vector_store %arg6[%swap3A_342, %swap3A_343], %swap3A_346 {strides = array<i32>} : memref<64x768xf32, #tpu.memory_space<vmem>>, vector<1x16xf32>,
        %get3A_347 = arith.index_cast %add3A_120 : i32 to index
        %get3A_348 = arith.constant 304 : index
        %get3A_349 = tpu.vector_load %arg6[%get3A_347, %get3A_348] {strides = array<i32>} : memref<64x768xf32, #tpu.memory_space<vmem>>, vector<1x16xf32>,
        %get3A_350 = vector.shape_cast %get3A_349 : vector<1x16xf32> to vector<16xf32>
        %mul3A_351 = arith.constant 27.7128124 : f32
        %mul3A_352 = vector.broadcast %mul3A_351 : f32 to vector<16xf32>
        %mul3A_353 = arith.mulf %get3A_350, %mul3A_352 : vector<16xf32>
        %swap3A_354 = arith.index_cast %add3A_120 : i32 to index
        %swap3A_355 = arith.constant 304 : index
        %swap3A_356 = tpu.vector_load %arg6[%swap3A_354, %swap3A_355] {strides = array<i32>} : memref<64x768xf32, #tpu.memory_space<vmem>>, vector<1x16xf32>,
        %swap3A_357 = vector.shape_cast %swap3A_356 : vector<1x16xf32> to vector<16xf32>
        %swap3A_358 = vector.shape_cast %mul3A_353 : vector<16xf32> to vector<1x16xf32>
        tpu.vector_store %arg6[%swap3A_354, %swap3A_355], %swap3A_358 {strides = array<i32>} : memref<64x768xf32, #tpu.memory_space<vmem>>, vector<1x16xf32>,
        %get3A_359 = arith.index_cast %add3A_120 : i32 to index
        %get3A_360 = arith.constant 320 : index
        %get3A_361 = tpu.vector_load %arg6[%get3A_359, %get3A_360] {strides = array<i32>} : memref<64x768xf32, #tpu.memory_space<vmem>>, vector<1x16xf32>,
        %get3A_362 = vector.shape_cast %get3A_361 : vector<1x16xf32> to vector<16xf32>
        %mul3A_363 = arith.constant 27.7128124 : f32
        %mul3A_364 = vector.broadcast %mul3A_363 : f32 to vector<16xf32>
        %mul3A_365 = arith.mulf %get3A_362, %mul3A_364 : vector<16xf32>
        %swap3A_366 = arith.index_cast %add3A_120 : i32 to index
        %swap3A_367 = arith.constant 320 : index
        %swap3A_368 = tpu.vector_load %arg6[%swap3A_366, %swap3A_367] {strides = array<i32>} : memref<64x768xf32, #tpu.memory_space<vmem>>, vector<1x16xf32>,
        %swap3A_369 = vector.shape_cast %swap3A_368 : vector<1x16xf32> to vector<16xf32>
        %swap3A_370 = vector.shape_cast %mul3A_365 : vector<16xf32> to vector<1x16xf32>
        tpu.vector_store %arg6[%swap3A_366, %swap3A_367], %swap3A_370 {strides = array<i32>} : memref<64x768xf32, #tpu.memory_space<vmem>>, vector<1x16xf32>,
        %get3A_371 = arith.index_cast %add3A_120 : i32 to index
        %get3A_372 = arith.constant 336 : index
        %get3A_373 = tpu.vector_load %arg6[%get3A_371, %get3A_372] {strides = array<i32>} : memref<64x768xf32, #tpu.memory_space<vmem>>, vector<1x16xf32>,
        %get3A_374 = vector.shape_cast %get3A_373 : vector<1x16xf32> to vector<16xf32>
        %mul3A_375 = arith.constant 27.7128124 : f32
        %mul3A_376 = vector.broadcast %mul3A_375 : f32 to vector<16xf32>
        %mul3A_377 = arith.mulf %get3A_374, %mul3A_376 : vector<16xf32>
        %swap3A_378 = arith.index_cast %add3A_120 : i32 to index
        %swap3A_379 = arith.constant 336 : index
        %swap3A_380 = tpu.vector_load %arg6[%swap3A_378, %swap3A_379] {strides = array<i32>} : memref<64x768xf32, #tpu.memory_space<vmem>>, vector<1x16xf32>,
        %swap3A_381 = vector.shape_cast %swap3A_380 : vector<1x16xf32> to vector<16xf32>
        %swap3A_382 = vector.shape_cast %mul3A_377 : vector<16xf32> to vector<1x16xf32>
        tpu.vector_store %arg6[%swap3A_378, %swap3A_379], %swap3A_382 {strides = array<i32>} : memref<64x768xf32, #tpu.memory_space<vmem>>, vector<1x16xf32>,
        %get3A_383 = arith.index_cast %add3A_120 : i32 to index
        %get3A_384 = arith.constant 352 : index
        %get3A_385 = tpu.vector_load %arg6[%get3A_383, %get3A_384] {strides = array<i32>} : memref<64x768xf32, #tpu.memory_space<vmem>>, vector<1x16xf32>,
        %get3A_386 = vector.shape_cast %get3A_385 : vector<1x16xf32> to vector<16xf32>
        %mul3A_387 = arith.constant 27.7128124 : f32
        %mul3A_388 = vector.broadcast %mul3A_387 : f32 to vector<16xf32>
        %mul3A_389 = arith.mulf %get3A_386, %mul3A_388 : vector<16xf32>
        %swap3A_390 = arith.index_cast %add3A_120 : i32 to index
        %swap3A_391 = arith.constant 352 : index
        %swap3A_392 = tpu.vector_load %arg6[%swap3A_390, %swap3A_391] {strides = array<i32>} : memref<64x768xf32, #tpu.memory_space<vmem>>, vector<1x16xf32>,
        %swap3A_393 = vector.shape_cast %swap3A_392 : vector<1x16xf32> to vector<16xf32>
        %swap3A_394 = vector.shape_cast %mul3A_389 : vector<16xf32> to vector<1x16xf32>
        tpu.vector_store %arg6[%swap3A_390, %swap3A_391], %swap3A_394 {strides = array<i32>} : memref<64x768xf32, #tpu.memory_space<vmem>>, vector<1x16xf32>,
        %get3A_395 = arith.index_cast %add3A_120 : i32 to index
        %get3A_396 = arith.constant 368 : index
        %get3A_397 = tpu.vector_load %arg6[%get3A_395, %get3A_396] {strides = array<i32>} : memref<64x768xf32, #tpu.memory_space<vmem>>, vector<1x16xf32>,
        %get3A_398 = vector.shape_cast %get3A_397 : vector<1x16xf32> to vector<16xf32>
        %mul3A_399 = arith.constant 27.7128124 : f32
        %mul3A_400 = vector.broadcast %mul3A_399 : f32 to vector<16xf32>
        %mul3A_401 = arith.mulf %get3A_398, %mul3A_400 : vector<16xf32>
        %swap3A_402 = arith.index_cast %add3A_120 : i32 to index
        %swap3A_403 = arith.constant 368 : index
        %swap3A_404 = tpu.vector_load %arg6[%swap3A_402, %swap3A_403] {strides = array<i32>} : memref<64x768xf32, #tpu.memory_space<vmem>>, vector<1x16xf32>,
        %swap3A_405 = vector.shape_cast %swap3A_404 : vector<1x16xf32> to vector<16xf32>
        %swap3A_406 = vector.shape_cast %mul3A_401 : vector<16xf32> to vector<1x16xf32>
        tpu.vector_store %arg6[%swap3A_402, %swap3A_403], %swap3A_406 {strides = array<i32>} : memref<64x768xf32, #tpu.memory_space<vmem>>, vector<1x16xf32>,
        %get3A_407 = arith.index_cast %add3A_120 : i32 to index
        %get3A_408 = arith.constant 384 : index
        %get3A_409 = tpu.vector_load %arg6[%get3A_407, %get3A_408] {strides = array<i32>} : memref<64x768xf32, #tpu.memory_space<vmem>>, vector<1x16xf32>,
        %get3A_410 = vector.shape_cast %get3A_409 : vector<1x16xf32> to vector<16xf32>
        %mul3A_411 = arith.constant 27.7128124 : f32
        %mul3A_412 = vector.broadcast %mul3A_411 : f32 to vector<16xf32>
        %mul3A_413 = arith.mulf %get3A_410, %mul3A_412 : vector<16xf32>
        %swap3A_414 = arith.index_cast %add3A_120 : i32 to index
        %swap3A_415 = arith.constant 384 : index
        %swap3A_416 = tpu.vector_load %arg6[%swap3A_414, %swap3A_415] {strides = array<i32>} : memref<64x768xf32, #tpu.memory_space<vmem>>, vector<1x16xf32>,
        %swap3A_417 = vector.shape_cast %swap3A_416 : vector<1x16xf32> to vector<16xf32>
        %swap3A_418 = vector.shape_cast %mul3A_413 : vector<16xf32> to vector<1x16xf32>
        tpu.vector_store %arg6[%swap3A_414, %swap3A_415], %swap3A_418 {strides = array<i32>} : memref<64x768xf32, #tpu.memory_space<vmem>>, vector<1x16xf32>,
        %get3A_419 = arith.index_cast %add3A_120 : i32 to index
        %get3A_420 = arith.constant 400 : index
        %get3A_421 = tpu.vector_load %arg6[%get3A_419, %get3A_420] {strides = array<i32>} : memref<64x768xf32, #tpu.memory_space<vmem>>, vector<1x16xf32>,
        %get3A_422 = vector.shape_cast %get3A_421 : vector<1x16xf32> to vector<16xf32>
        %mul3A_423 = arith.constant 27.7128124 : f32
        %mul3A_424 = vector.broadcast %mul3A_423 : f32 to vector<16xf32>
        %mul3A_425 = arith.mulf %get3A_422, %mul3A_424 : vector<16xf32>
        %swap3A_426 = arith.index_cast %add3A_120 : i32 to index
        %swap3A_427 = arith.constant 400 : index
        %swap3A_428 = tpu.vector_load %arg6[%swap3A_426, %swap3A_427] {strides = array<i32>} : memref<64x768xf32, #tpu.memory_space<vmem>>, vector<1x16xf32>,
        %swap3A_429 = vector.shape_cast %swap3A_428 : vector<1x16xf32> to vector<16xf32>
        %swap3A_430 = vector.shape_cast %mul3A_425 : vector<16xf32> to vector<1x16xf32>
        tpu.vector_store %arg6[%swap3A_426, %swap3A_427], %swap3A_430 {strides = array<i32>} : memref<64x768xf32, #tpu.memory_space<vmem>>, vector<1x16xf32>,
        %get3A_431 = arith.index_cast %add3A_120 : i32 to index
        %get3A_432 = arith.constant 416 : index
        %get3A_433 = tpu.vector_load %arg6[%get3A_431, %get3A_432] {strides = array<i32>} : memref<64x768xf32, #tpu.memory_space<vmem>>, vector<1x16xf32>,
        %get3A_434 = vector.shape_cast %get3A_433 : vector<1x16xf32> to vector<16xf32>
        %mul3A_435 = arith.constant 27.7128124 : f32
        %mul3A_436 = vector.broadcast %mul3A_435 : f32 to vector<16xf32>
        %mul3A_437 = arith.mulf %get3A_434, %mul3A_436 : vector<16xf32>
        %swap3A_438 = arith.index_cast %add3A_120 : i32 to index
        %swap3A_439 = arith.constant 416 : index
        %swap3A_440 = tpu.vector_load %arg6[%swap3A_438, %swap3A_439] {strides = array<i32>} : memref<64x768xf32, #tpu.memory_space<vmem>>, vector<1x16xf32>,
        %swap3A_441 = vector.shape_cast %swap3A_440 : vector<1x16xf32> to vector<16xf32>
        %swap3A_442 = vector.shape_cast %mul3A_437 : vector<16xf32> to vector<1x16xf32>
        tpu.vector_store %arg6[%swap3A_438, %swap3A_439], %swap3A_442 {strides = array<i32>} : memref<64x768xf32, #tpu.memory_space<vmem>>, vector<1x16xf32>,
        %get3A_443 = arith.index_cast %add3A_120 : i32 to index
        %get3A_444 = arith.constant 432 : index
        %get3A_445 = tpu.vector_load %arg6[%get3A_443, %get3A_444] {strides = array<i32>} : memref<64x768xf32, #tpu.memory_space<vmem>>, vector<1x16xf32>,
        %get3A_446 = vector.shape_cast %get3A_445 : vector<1x16xf32> to vector<16xf32>
        %mul3A_447 = arith.constant 27.7128124 : f32
        %mul3A_448 = vector.broadcast %mul3A_447 : f32 to vector<16xf32>
        %mul3A_449 = arith.mulf %get3A_446, %mul3A_448 : vector<16xf32>
        %swap3A_450 = arith.index_cast %add3A_120 : i32 to index
        %swap3A_451 = arith.constant 432 : index
        %swap3A_452 = tpu.vector_load %arg6[%swap3A_450, %swap3A_451] {strides = array<i32>} : memref<64x768xf32, #tpu.memory_space<vmem>>, vector<1x16xf32>,
        %swap3A_453 = vector.shape_cast %swap3A_452 : vector<1x16xf32> to vector<16xf32>
        %swap3A_454 = vector.shape_cast %mul3A_449 : vector<16xf32> to vector<1x16xf32>
        tpu.vector_store %arg6[%swap3A_450, %swap3A_451], %swap3A_454 {strides = array<i32>} : memref<64x768xf32, #tpu.memory_space<vmem>>, vector<1x16xf32>,
        %get3A_455 = arith.index_cast %add3A_120 : i32 to index
        %get3A_456 = arith.constant 448 : index
        %get3A_457 = tpu.vector_load %arg6[%get3A_455, %get3A_456] {strides = array<i32>} : memref<64x768xf32, #tpu.memory_space<vmem>>, vector<1x16xf32>,
        %get3A_458 = vector.shape_cast %get3A_457 : vector<1x16xf32> to vector<16xf32>
        %mul3A_459 = arith.constant 27.7128124 : f32
        %mul3A_460 = vector.broadcast %mul3A_459 : f32 to vector<16xf32>
        %mul3A_461 = arith.mulf %get3A_458, %mul3A_460 : vector<16xf32>
        %swap3A_462 = arith.index_cast %add3A_120 : i32 to index
        %swap3A_463 = arith.constant 448 : index
        %swap3A_464 = tpu.vector_load %arg6[%swap3A_462, %swap3A_463] {strides = array<i32>} : memref<64x768xf32, #tpu.memory_space<vmem>>, vector<1x16xf32>,
        %swap3A_465 = vector.shape_cast %swap3A_464 : vector<1x16xf32> to vector<16xf32>
        %swap3A_466 = vector.shape_cast %mul3A_461 : vector<16xf32> to vector<1x16xf32>
        tpu.vector_store %arg6[%swap3A_462, %swap3A_463], %swap3A_466 {strides = array<i32>} : memref<64x768xf32, #tpu.memory_space<vmem>>, vector<1x16xf32>,
        %get3A_467 = arith.index_cast %add3A_120 : i32 to index
        %get3A_468 = arith.constant 464 : index
        %get3A_469 = tpu.vector_load %arg6[%get3A_467, %get3A_468] {strides = array<i32>} : memref<64x768xf32, #tpu.memory_space<vmem>>, vector<1x16xf32>,
        %get3A_470 = vector.shape_cast %get3A_469 : vector<1x16xf32> to vector<16xf32>
        %mul3A_471 = arith.constant 27.7128124 : f32
        %mul3A_472 = vector.broadcast %mul3A_471 : f32 to vector<16xf32>
        %mul3A_473 = arith.mulf %get3A_470, %mul3A_472 : vector<16xf32>
        %swap3A_474 = arith.index_cast %add3A_120 : i32 to index
        %swap3A_475 = arith.constant 464 : index
        %swap3A_476 = tpu.vector_load %arg6[%swap3A_474, %swap3A_475] {strides = array<i32>} : memref<64x768xf32, #tpu.memory_space<vmem>>, vector<1x16xf32>,
        %swap3A_477 = vector.shape_cast %swap3A_476 : vector<1x16xf32> to vector<16xf32>
        %swap3A_478 = vector.shape_cast %mul3A_473 : vector<16xf32> to vector<1x16xf32>
        tpu.vector_store %arg6[%swap3A_474, %swap3A_475], %swap3A_478 {strides = array<i32>} : memref<64x768xf32, #tpu.memory_space<vmem>>, vector<1x16xf32>,
        %get3A_479 = arith.index_cast %add3A_120 : i32 to index
        %get3A_480 = arith.constant 480 : index
        %get3A_481 = tpu.vector_load %arg6[%get3A_479, %get3A_480] {strides = array<i32>} : memref<64x768xf32, #tpu.memory_space<vmem>>, vector<1x16xf32>,
        %get3A_482 = vector.shape_cast %get3A_481 : vector<1x16xf32> to vector<16xf32>
        %mul3A_483 = arith.constant 27.7128124 : f32
        %mul3A_484 = vector.broadcast %mul3A_483 : f32 to vector<16xf32>
        %mul3A_485 = arith.mulf %get3A_482, %mul3A_484 : vector<16xf32>
        %swap3A_486 = arith.index_cast %add3A_120 : i32 to index
        %swap3A_487 = arith.constant 480 : index
        %swap3A_488 = tpu.vector_load %arg6[%swap3A_486, %swap3A_487] {strides = array<i32>} : memref<64x768xf32, #tpu.memory_space<vmem>>, vector<1x16xf32>,
        %swap3A_489 = vector.shape_cast %swap3A_488 : vector<1x16xf32> to vector<16xf32>
        %swap3A_490 = vector.shape_cast %mul3A_485 : vector<16xf32> to vector<1x16xf32>
        tpu.vector_store %arg6[%swap3A_486, %swap3A_487], %swap3A_490 {strides = array<i32>} : memref<64x768xf32, #tpu.memory_space<vmem>>, vector<1x16xf32>,
        %get3A_491 = arith.index_cast %add3A_120 : i32 to index
        %get3A_492 = arith.constant 496 : index
        %get3A_493 = tpu.vector_load %arg6[%get3A_491, %get3A_492] {strides = array<i32>} : memref<64x768xf32, #tpu.memory_space<vmem>>, vector<1x16xf32>,
        %get3A_494 = vector.shape_cast %get3A_493 : vector<1x16xf32> to vector<16xf32>
        %mul3A_495 = arith.constant 27.7128124 : f32
        %mul3A_496 = vector.broadcast %mul3A_495 : f32 to vector<16xf32>
        %mul3A_497 = arith.mulf %get3A_494, %mul3A_496 : vector<16xf32>
        %swap3A_498 = arith.index_cast %add3A_120 : i32 to index
        %swap3A_499 = arith.constant 496 : index
        %swap3A_500 = tpu.vector_load %arg6[%swap3A_498, %swap3A_499] {strides = array<i32>} : memref<64x768xf32, #tpu.memory_space<vmem>>, vector<1x16xf32>,
        %swap3A_501 = vector.shape_cast %swap3A_500 : vector<1x16xf32> to vector<16xf32>
        %swap3A_502 = vector.shape_cast %mul3A_497 : vector<16xf32> to vector<1x16xf32>
        tpu.vector_store %arg6[%swap3A_498, %swap3A_499], %swap3A_502 {strides = array<i32>} : memref<64x768xf32, #tpu.memory_space<vmem>>, vector<1x16xf32>,
        %get3A_503 = arith.index_cast %add3A_120 : i32 to index
        %get3A_504 = arith.constant 512 : index
        %get3A_505 = tpu.vector_load %arg6[%get3A_503, %get3A_504] {strides = array<i32>} : memref<64x768xf32, #tpu.memory_space<vmem>>, vector<1x16xf32>,
        %get3A_506 = vector.shape_cast %get3A_505 : vector<1x16xf32> to vector<16xf32>
        %mul3A_507 = arith.constant 27.7128124 : f32
        %mul3A_508 = vector.broadcast %mul3A_507 : f32 to vector<16xf32>
        %mul3A_509 = arith.mulf %get3A_506, %mul3A_508 : vector<16xf32>
        %swap3A_510 = arith.index_cast %add3A_120 : i32 to index
        %swap3A_511 = arith.constant 512 : index
        %swap3A_512 = tpu.vector_load %arg6[%swap3A_510, %swap3A_511] {strides = array<i32>} : memref<64x768xf32, #tpu.memory_space<vmem>>, vector<1x16xf32>,
        %swap3A_513 = vector.shape_cast %swap3A_512 : vector<1x16xf32> to vector<16xf32>
        %swap3A_514 = vector.shape_cast %mul3A_509 : vector<16xf32> to vector<1x16xf32>
        tpu.vector_store %arg6[%swap3A_510, %swap3A_511], %swap3A_514 {strides = array<i32>} : memref<64x768xf32, #tpu.memory_space<vmem>>, vector<1x16xf32>,
        %get3A_515 = arith.index_cast %add3A_120 : i32 to index
        %get3A_516 = arith.constant 528 : index
        %get3A_517 = tpu.vector_load %arg6[%get3A_515, %get3A_516] {strides = array<i32>} : memref<64x768xf32, #tpu.memory_space<vmem>>, vector<1x16xf32>,
        %get3A_518 = vector.shape_cast %get3A_517 : vector<1x16xf32> to vector<16xf32>
        %mul3A_519 = arith.constant 27.7128124 : f32
        %mul3A_520 = vector.broadcast %mul3A_519 : f32 to vector<16xf32>
        %mul3A_521 = arith.mulf %get3A_518, %mul3A_520 : vector<16xf32>
        %swap3A_522 = arith.index_cast %add3A_120 : i32 to index
        %swap3A_523 = arith.constant 528 : index
        %swap3A_524 = tpu.vector_load %arg6[%swap3A_522, %swap3A_523] {strides = array<i32>} : memref<64x768xf32, #tpu.memory_space<vmem>>, vector<1x16xf32>,
        %swap3A_525 = vector.shape_cast %swap3A_524 : vector<1x16xf32> to vector<16xf32>
        %swap3A_526 = vector.shape_cast %mul3A_521 : vector<16xf32> to vector<1x16xf32>
        tpu.vector_store %arg6[%swap3A_522, %swap3A_523], %swap3A_526 {strides = array<i32>} : memref<64x768xf32, #tpu.memory_space<vmem>>, vector<1x16xf32>,
        %get3A_527 = arith.index_cast %add3A_120 : i32 to index
        %get3A_528 = arith.constant 544 : index
        %get3A_529 = tpu.vector_load %arg6[%get3A_527, %get3A_528] {strides = array<i32>} : memref<64x768xf32, #tpu.memory_space<vmem>>, vector<1x16xf32>,
        %get3A_530 = vector.shape_cast %get3A_529 : vector<1x16xf32> to vector<16xf32>
        %mul3A_531 = arith.constant 27.7128124 : f32
        %mul3A_532 = vector.broadcast %mul3A_531 : f32 to vector<16xf32>
        %mul3A_533 = arith.mulf %get3A_530, %mul3A_532 : vector<16xf32>
        %swap3A_534 = arith.index_cast %add3A_120 : i32 to index
        %swap3A_535 = arith.constant 544 : index
        %swap3A_536 = tpu.vector_load %arg6[%swap3A_534, %swap3A_535] {strides = array<i32>} : memref<64x768xf32, #tpu.memory_space<vmem>>, vector<1x16xf32>,
        %swap3A_537 = vector.shape_cast %swap3A_536 : vector<1x16xf32> to vector<16xf32>
        %swap3A_538 = vector.shape_cast %mul3A_533 : vector<16xf32> to vector<1x16xf32>
        tpu.vector_store %arg6[%swap3A_534, %swap3A_535], %swap3A_538 {strides = array<i32>} : memref<64x768xf32, #tpu.memory_space<vmem>>, vector<1x16xf32>,
        %get3A_539 = arith.index_cast %add3A_120 : i32 to index
        %get3A_540 = arith.constant 560 : index
        %get3A_541 = tpu.vector_load %arg6[%get3A_539, %get3A_540] {strides = array<i32>} : memref<64x768xf32, #tpu.memory_space<vmem>>, vector<1x16xf32>,
        %get3A_542 = vector.shape_cast %get3A_541 : vector<1x16xf32> to vector<16xf32>
        %mul3A_543 = arith.constant 27.7128124 : f32
        %mul3A_544 = vector.broadcast %mul3A_543 : f32 to vector<16xf32>
        %mul3A_545 = arith.mulf %get3A_542, %mul3A_544 : vector<16xf32>
        %swap3A_546 = arith.index_cast %add3A_120 : i32 to index
        %swap3A_547 = arith.constant 560 : index
        %swap3A_548 = tpu.vector_load %arg6[%swap3A_546, %swap3A_547] {strides = array<i32>} : memref<64x768xf32, #tpu.memory_space<vmem>>, vector<1x16xf32>,
        %swap3A_549 = vector.shape_cast %swap3A_548 : vector<1x16xf32> to vector<16xf32>
        %swap3A_550 = vector.shape_cast %mul3A_545 : vector<16xf32> to vector<1x16xf32>
        tpu.vector_store %arg6[%swap3A_546, %swap3A_547], %swap3A_550 {strides = array<i32>} : memref<64x768xf32, #tpu.memory_space<vmem>>, vector<1x16xf32>,
        %get3A_551 = arith.index_cast %add3A_120 : i32 to index
        %get3A_552 = arith.constant 576 : index
        %get3A_553 = tpu.vector_load %arg6[%get3A_551, %get3A_552] {strides = array<i32>} : memref<64x768xf32, #tpu.memory_space<vmem>>, vector<1x16xf32>,
        %get3A_554 = vector.shape_cast %get3A_553 : vector<1x16xf32> to vector<16xf32>
        %mul3A_555 = arith.constant 27.7128124 : f32
        %mul3A_556 = vector.broadcast %mul3A_555 : f32 to vector<16xf32>
        %mul3A_557 = arith.mulf %get3A_554, %mul3A_556 : vector<16xf32>
        %swap3A_558 = arith.index_cast %add3A_120 : i32 to index
        %swap3A_559 = arith.constant 576 : index
        %swap3A_560 = tpu.vector_load %arg6[%swap3A_558, %swap3A_559] {strides = array<i32>} : memref<64x768xf32, #tpu.memory_space<vmem>>, vector<1x16xf32>,
        %swap3A_561 = vector.shape_cast %swap3A_560 : vector<1x16xf32> to vector<16xf32>
        %swap3A_562 = vector.shape_cast %mul3A_557 : vector<16xf32> to vector<1x16xf32>
        tpu.vector_store %arg6[%swap3A_558, %swap3A_559], %swap3A_562 {strides = array<i32>} : memref<64x768xf32, #tpu.memory_space<vmem>>, vector<1x16xf32>,
        %get3A_563 = arith.index_cast %add3A_120 : i32 to index
        %get3A_564 = arith.constant 592 : index
        %get3A_565 = tpu.vector_load %arg6[%get3A_563, %get3A_564] {strides = array<i32>} : memref<64x768xf32, #tpu.memory_space<vmem>>, vector<1x16xf32>,
        %get3A_566 = vector.shape_cast %get3A_565 : vector<1x16xf32> to vector<16xf32>
        %mul3A_567 = arith.constant 27.7128124 : f32
        %mul3A_568 = vector.broadcast %mul3A_567 : f32 to vector<16xf32>
        %mul3A_569 = arith.mulf %get3A_566, %mul3A_568 : vector<16xf32>
        %swap3A_570 = arith.index_cast %add3A_120 : i32 to index
        %swap3A_571 = arith.constant 592 : index
        %swap3A_572 = tpu.vector_load %arg6[%swap3A_570, %swap3A_571] {strides = array<i32>} : memref<64x768xf32, #tpu.memory_space<vmem>>, vector<1x16xf32>,
        %swap3A_573 = vector.shape_cast %swap3A_572 : vector<1x16xf32> to vector<16xf32>
        %swap3A_574 = vector.shape_cast %mul3A_569 : vector<16xf32> to vector<1x16xf32>
        tpu.vector_store %arg6[%swap3A_570, %swap3A_571], %swap3A_574 {strides = array<i32>} : memref<64x768xf32, #tpu.memory_space<vmem>>, vector<1x16xf32>,
        %get3A_575 = arith.index_cast %add3A_120 : i32 to index
        %get3A_576 = arith.constant 608 : index
        %get3A_577 = tpu.vector_load %arg6[%get3A_575, %get3A_576] {strides = array<i32>} : memref<64x768xf32, #tpu.memory_space<vmem>>, vector<1x16xf32>,
        %get3A_578 = vector.shape_cast %get3A_577 : vector<1x16xf32> to vector<16xf32>
        %mul3A_579 = arith.constant 27.7128124 : f32
        %mul3A_580 = vector.broadcast %mul3A_579 : f32 to vector<16xf32>
        %mul3A_581 = arith.mulf %get3A_578, %mul3A_580 : vector<16xf32>
        %swap3A_582 = arith.index_cast %add3A_120 : i32 to index
        %swap3A_583 = arith.constant 608 : index
        %swap3A_584 = tpu.vector_load %arg6[%swap3A_582, %swap3A_583] {strides = array<i32>} : memref<64x768xf32, #tpu.memory_space<vmem>>, vector<1x16xf32>,
        %swap3A_585 = vector.shape_cast %swap3A_584 : vector<1x16xf32> to vector<16xf32>
        %swap3A_586 = vector.shape_cast %mul3A_581 : vector<16xf32> to vector<1x16xf32>
        tpu.vector_store %arg6[%swap3A_582, %swap3A_583], %swap3A_586 {strides = array<i32>} : memref<64x768xf32, #tpu.memory_space<vmem>>, vector<1x16xf32>,
        %get3A_587 = arith.index_cast %add3A_120 : i32 to index
        %get3A_588 = arith.constant 624 : index
        %get3A_589 = tpu.vector_load %arg6[%get3A_587, %get3A_588] {strides = array<i32>} : memref<64x768xf32, #tpu.memory_space<vmem>>, vector<1x16xf32>,
        %get3A_590 = vector.shape_cast %get3A_589 : vector<1x16xf32> to vector<16xf32>
        %mul3A_591 = arith.constant 27.7128124 : f32
        %mul3A_592 = vector.broadcast %mul3A_591 : f32 to vector<16xf32>
        %mul3A_593 = arith.mulf %get3A_590, %mul3A_592 : vector<16xf32>
        %swap3A_594 = arith.index_cast %add3A_120 : i32 to index
        %swap3A_595 = arith.constant 624 : index
        %swap3A_596 = tpu.vector_load %arg6[%swap3A_594, %swap3A_595] {strides = array<i32>} : memref<64x768xf32, #tpu.memory_space<vmem>>, vector<1x16xf32>,
        %swap3A_597 = vector.shape_cast %swap3A_596 : vector<1x16xf32> to vector<16xf32>
        %swap3A_598 = vector.shape_cast %mul3A_593 : vector<16xf32> to vector<1x16xf32>
        tpu.vector_store %arg6[%swap3A_594, %swap3A_595], %swap3A_598 {strides = array<i32>} : memref<64x768xf32, #tpu.memory_space<vmem>>, vector<1x16xf32>,
        %get3A_599 = arith.index_cast %add3A_120 : i32 to index
        %get3A_600 = arith.constant 640 : index
        %get3A_601 = tpu.vector_load %arg6[%get3A_599, %get3A_600] {strides = array<i32>} : memref<64x768xf32, #tpu.memory_space<vmem>>, vector<1x16xf32>,
        %get3A_602 = vector.shape_cast %get3A_601 : vector<1x16xf32> to vector<16xf32>
        %mul3A_603 = arith.constant 27.7128124 : f32
        %mul3A_604 = vector.broadcast %mul3A_603 : f32 to vector<16xf32>
        %mul3A_605 = arith.mulf %get3A_602, %mul3A_604 : vector<16xf32>
        %swap3A_606 = arith.index_cast %add3A_120 : i32 to index
        %swap3A_607 = arith.constant 640 : index
        %swap3A_608 = tpu.vector_load %arg6[%swap3A_606, %swap3A_607] {strides = array<i32>} : memref<64x768xf32, #tpu.memory_space<vmem>>, vector<1x16xf32>,
        %swap3A_609 = vector.shape_cast %swap3A_608 : vector<1x16xf32> to vector<16xf32>
        %swap3A_610 = vector.shape_cast %mul3A_605 : vector<16xf32> to vector<1x16xf32>
        tpu.vector_store %arg6[%swap3A_606, %swap3A_607], %swap3A_610 {strides = array<i32>} : memref<64x768xf32, #tpu.memory_space<vmem>>, vector<1x16xf32>,
        %get3A_611 = arith.index_cast %add3A_120 : i32 to index
        %get3A_612 = arith.constant 656 : index
        %get3A_613 = tpu.vector_load %arg6[%get3A_611, %get3A_612] {strides = array<i32>} : memref<64x768xf32, #tpu.memory_space<vmem>>, vector<1x16xf32>,
        %get3A_614 = vector.shape_cast %get3A_613 : vector<1x16xf32> to vector<16xf32>
        %mul3A_615 = arith.constant 27.7128124 : f32
        %mul3A_616 = vector.broadcast %mul3A_615 : f32 to vector<16xf32>
        %mul3A_617 = arith.mulf %get3A_614, %mul3A_616 : vector<16xf32>
        %swap3A_618 = arith.index_cast %add3A_120 : i32 to index
        %swap3A_619 = arith.constant 656 : index
        %swap3A_620 = tpu.vector_load %arg6[%swap3A_618, %swap3A_619] {strides = array<i32>} : memref<64x768xf32, #tpu.memory_space<vmem>>, vector<1x16xf32>,
        %swap3A_621 = vector.shape_cast %swap3A_620 : vector<1x16xf32> to vector<16xf32>
        %swap3A_622 = vector.shape_cast %mul3A_617 : vector<16xf32> to vector<1x16xf32>
        tpu.vector_store %arg6[%swap3A_618, %swap3A_619], %swap3A_622 {strides = array<i32>} : memref<64x768xf32, #tpu.memory_space<vmem>>, vector<1x16xf32>,
        %get3A_623 = arith.index_cast %add3A_120 : i32 to index
        %get3A_624 = arith.constant 672 : index
        %get3A_625 = tpu.vector_load %arg6[%get3A_623, %get3A_624] {strides = array<i32>} : memref<64x768xf32, #tpu.memory_space<vmem>>, vector<1x16xf32>,
        %get3A_626 = vector.shape_cast %get3A_625 : vector<1x16xf32> to vector<16xf32>
        %mul3A_627 = arith.constant 27.7128124 : f32
        %mul3A_628 = vector.broadcast %mul3A_627 : f32 to vector<16xf32>
        %mul3A_629 = arith.mulf %get3A_626, %mul3A_628 : vector<16xf32>
        %swap3A_630 = arith.index_cast %add3A_120 : i32 to index
        %swap3A_631 = arith.constant 672 : index
        %swap3A_632 = tpu.vector_load %arg6[%swap3A_630, %swap3A_631] {strides = array<i32>} : memref<64x768xf32, #tpu.memory_space<vmem>>, vector<1x16xf32>,
        %swap3A_633 = vector.shape_cast %swap3A_632 : vector<1x16xf32> to vector<16xf32>
        %swap3A_634 = vector.shape_cast %mul3A_629 : vector<16xf32> to vector<1x16xf32>
        tpu.vector_store %arg6[%swap3A_630, %swap3A_631], %swap3A_634 {strides = array<i32>} : memref<64x768xf32, #tpu.memory_space<vmem>>, vector<1x16xf32>,
        %get3A_635 = arith.index_cast %add3A_120 : i32 to index
        %get3A_636 = arith.constant 688 : index
        %get3A_637 = tpu.vector_load %arg6[%get3A_635, %get3A_636] {strides = array<i32>} : memref<64x768xf32, #tpu.memory_space<vmem>>, vector<1x16xf32>,
        %get3A_638 = vector.shape_cast %get3A_637 : vector<1x16xf32> to vector<16xf32>
        %mul3A_639 = arith.constant 27.7128124 : f32
        %mul3A_640 = vector.broadcast %mul3A_639 : f32 to vector<16xf32>
        %mul3A_641 = arith.mulf %get3A_638, %mul3A_640 : vector<16xf32>
        %swap3A_642 = arith.index_cast %add3A_120 : i32 to index
        %swap3A_643 = arith.constant 688 : index
        %swap3A_644 = tpu.vector_load %arg6[%swap3A_642, %swap3A_643] {strides = array<i32>} : memref<64x768xf32, #tpu.memory_space<vmem>>, vector<1x16xf32>,
        %swap3A_645 = vector.shape_cast %swap3A_644 : vector<1x16xf32> to vector<16xf32>
        %swap3A_646 = vector.shape_cast %mul3A_641 : vector<16xf32> to vector<1x16xf32>
        tpu.vector_store %arg6[%swap3A_642, %swap3A_643], %swap3A_646 {strides = array<i32>} : memref<64x768xf32, #tpu.memory_space<vmem>>, vector<1x16xf32>,
        %get3A_647 = arith.index_cast %add3A_120 : i32 to index
        %get3A_648 = arith.constant 704 : index
        %get3A_649 = tpu.vector_load %arg6[%get3A_647, %get3A_648] {strides = array<i32>} : memref<64x768xf32, #tpu.memory_space<vmem>>, vector<1x16xf32>,
        %get3A_650 = vector.shape_cast %get3A_649 : vector<1x16xf32> to vector<16xf32>
        %mul3A_651 = arith.constant 27.7128124 : f32
        %mul3A_652 = vector.broadcast %mul3A_651 : f32 to vector<16xf32>
        %mul3A_653 = arith.mulf %get3A_650, %mul3A_652 : vector<16xf32>
        %swap3A_654 = arith.index_cast %add3A_120 : i32 to index
        %swap3A_655 = arith.constant 704 : index
        %swap3A_656 = tpu.vector_load %arg6[%swap3A_654, %swap3A_655] {strides = array<i32>} : memref<64x768xf32, #tpu.memory_space<vmem>>, vector<1x16xf32>,
        %swap3A_657 = vector.shape_cast %swap3A_656 : vector<1x16xf32> to vector<16xf32>
        %swap3A_658 = vector.shape_cast %mul3A_653 : vector<16xf32> to vector<1x16xf32>
        tpu.vector_store %arg6[%swap3A_654, %swap3A_655], %swap3A_658 {strides = array<i32>} : memref<64x768xf32, #tpu.memory_space<vmem>>, vector<1x16xf32>,
        %get3A_659 = arith.index_cast %add3A_120 : i32 to index
        %get3A_660 = arith.constant 720 : index
        %get3A_661 = tpu.vector_load %arg6[%get3A_659, %get3A_660] {strides = array<i32>} : memref<64x768xf32, #tpu.memory_space<vmem>>, vector<1x16xf32>,
        %get3A_662 = vector.shape_cast %get3A_661 : vector<1x16xf32> to vector<16xf32>
        %mul3A_663 = arith.constant 27.7128124 : f32
        %mul3A_664 = vector.broadcast %mul3A_663 : f32 to vector<16xf32>
        %mul3A_665 = arith.mulf %get3A_662, %mul3A_664 : vector<16xf32>
        %swap3A_666 = arith.index_cast %add3A_120 : i32 to index
        %swap3A_667 = arith.constant 720 : index
        %swap3A_668 = tpu.vector_load %arg6[%swap3A_666, %swap3A_667] {strides = array<i32>} : memref<64x768xf32, #tpu.memory_space<vmem>>, vector<1x16xf32>,
        %swap3A_669 = vector.shape_cast %swap3A_668 : vector<1x16xf32> to vector<16xf32>
        %swap3A_670 = vector.shape_cast %mul3A_665 : vector<16xf32> to vector<1x16xf32>
        tpu.vector_store %arg6[%swap3A_666, %swap3A_667], %swap3A_670 {strides = array<i32>} : memref<64x768xf32, #tpu.memory_space<vmem>>, vector<1x16xf32>,
        %get3A_671 = arith.index_cast %add3A_120 : i32 to index
        %get3A_672 = arith.constant 736 : index
        %get3A_673 = tpu.vector_load %arg6[%get3A_671, %get3A_672] {strides = array<i32>} : memref<64x768xf32, #tpu.memory_space<vmem>>, vector<1x16xf32>,
        %get3A_674 = vector.shape_cast %get3A_673 : vector<1x16xf32> to vector<16xf32>
        %mul3A_675 = arith.constant 27.7128124 : f32
        %mul3A_676 = vector.broadcast %mul3A_675 : f32 to vector<16xf32>
        %mul3A_677 = arith.mulf %get3A_674, %mul3A_676 : vector<16xf32>
        %swap3A_678 = arith.index_cast %add3A_120 : i32 to index
        %swap3A_679 = arith.constant 736 : index
        %swap3A_680 = tpu.vector_load %arg6[%swap3A_678, %swap3A_679] {strides = array<i32>} : memref<64x768xf32, #tpu.memory_space<vmem>>, vector<1x16xf32>,
        %swap3A_681 = vector.shape_cast %swap3A_680 : vector<1x16xf32> to vector<16xf32>
        %swap3A_682 = vector.shape_cast %mul3A_677 : vector<16xf32> to vector<1x16xf32>
        tpu.vector_store %arg6[%swap3A_678, %swap3A_679], %swap3A_682 {strides = array<i32>} : memref<64x768xf32, #tpu.memory_space<vmem>>, vector<1x16xf32>,
        %get3A_683 = arith.index_cast %add3A_120 : i32 to index
        %get3A_684 = arith.constant 752 : index
        %get3A_685 = tpu.vector_load %arg6[%get3A_683, %get3A_684] {strides = array<i32>} : memref<64x768xf32, #tpu.memory_space<vmem>>, vector<1x16xf32>,
        %get3A_686 = vector.shape_cast %get3A_685 : vector<1x16xf32> to vector<16xf32>
        %mul3A_687 = arith.constant 27.7128124 : f32
        %mul3A_688 = vector.broadcast %mul3A_687 : f32 to vector<16xf32>
        %mul3A_689 = arith.mulf %get3A_686, %mul3A_688 : vector<16xf32>
        %swap3A_690 = arith.index_cast %add3A_120 : i32 to index
        %swap3A_691 = arith.constant 752 : index
        %swap3A_692 = tpu.vector_load %arg6[%swap3A_690, %swap3A_691] {strides = array<i32>} : memref<64x768xf32, #tpu.memory_space<vmem>>, vector<1x16xf32>,
        %swap3A_693 = vector.shape_cast %swap3A_692 : vector<1x16xf32> to vector<16xf32>
        %swap3A_694 = vector.shape_cast %mul3A_689 : vector<16xf32> to vector<1x16xf32>
        tpu.vector_store %arg6[%swap3A_690, %swap3A_691], %swap3A_694 {strides = array<i32>} : memref<64x768xf32, #tpu.memory_space<vmem>>, vector<1x16xf32>,
      }
      %scan3A_85 = arith.constant 64 : i32
      %mul3A_86 = arith.constant 64 : i32
      %mul3A_87 = arith.muli %add3A_76, %mul3A_86 : i32
      %add3A_88 = arith.addi %mul3A_2, %mul3A_87 : i32
      "tpu.region"() ({
        %run_scoped3A = tpu.sem_alloc : memref<!tpu.dma_semaphore, #tpu.memory_space<semaphore_mem>>
        %dma_start3A_116 = arith.constant 0 : i32
        %dma_start3A_117 = tpu.memref_slice %arg4[%add3A_88, %dma_start3A_116] : memref<16384x768xf32, #tpu.memory_space<hbm>> -> memref<64x768xf32, #tpu.memory_space<hbm>>
        %dma_start3A_118 = arith.constant 0 : i32
        %dma_start3A_119 = tpu.memref_slice %arg4[%add3A_88, %dma_start3A_118] : memref<16384x768xf32, #tpu.memory_space<hbm>> -> memref<64x768xf32, #tpu.memory_space<hbm>>
        tpu.enqueue_dma source(%arg6 : memref<64x768xf32, #tpu.memory_space<vmem>>) target(%dma_start3A_119 : memref<64x768xf32, #tpu.memory_space<hbm>>) target_semaphore(%run_scoped3A : memref<!tpu.dma_semaphore, #tpu.memory_space<semaphore_mem>>)
        %dma_wait3A_120 = arith.constant 0 : i32
        %dma_wait3A_121 = tpu.memref_slice %arg4[%add3A_88, %dma_wait3A_120] : memref<16384x768xf32, #tpu.memory_space<hbm>> -> memref<64x768xf32, #tpu.memory_space<hbm>>
        %dma_wait3A_122 = arith.constant 0 : i32
        %dma_wait3A_123 = tpu.memref_slice %arg4[%add3A_88, %dma_wait3A_122] : memref<16384x768xf32, #tpu.memory_space<hbm>> -> memref<64x768xf32, #tpu.memory_space<hbm>>
        tpu.wait_dma2 semaphore(%run_scoped3A : memref<!tpu.dma_semaphore, #tpu.memory_space<semaphore_mem>>) src(%arg6 : memref<64x768xf32, #tpu.memory_space<vmem>>) dst(%dma_wait3A_123 : memref<64x768xf32, #tpu.memory_space<hbm>>)
        tpu.yield
      }) : () -> ()
      %add3A_89 = arith.constant 2 : i32
      %add3A_90 = arith.addi %add3A_76, %add3A_89 : i32
      %lt3A_91 = arith.constant 8 : i32
      %lt3A_92 = arith.cmpi slt, %add3A_90, %lt3A_91 : i32
      %convert_element_type3A = arith.extui %lt3A_92 : i1 to i32
      %cond3A = arith.constant 0 : i32
      %cond3A_93 = arith.cmpi ne, %convert_element_type3A, %cond3A : i32
      scf.if %cond3A_93 {
        %add3A_116 = arith.constant 2 : i32
        %add3A_117 = arith.addi %add3A_76, %add3A_116 : i32
        %mul3A_118 = arith.constant 64 : i32
        %mul3A_119 = arith.muli %add3A_117, %mul3A_118 : i32
        %add3A_120 = arith.constant 0 : i32
        %add3A_121 = arith.addi %mul3A_119, %add3A_120 : i32
        %dma_start3A_122 = arith.constant 0 : i32
        %dma_start3A_123 = arith.constant 0 : i32
        %dma_start3A_124 = tpu.memref_slice %arg6[%dma_start3A_122, %dma_start3A_123] : memref<64x768xf32, #tpu.memory_space<vmem>> -> memref<32x768xf32, #tpu.memory_space<vmem>>
        %dma_start3A_125 = tpu.memref_slice %arg5[%add3A_121] : memref<512xi32, #tpu.memory_space<vmem>> -> memref<32xi32, #tpu.memory_space<vmem>>
        %dma_start3A_126 = arith.constant 0 : i32
        %dma_start3A_127 = arith.constant 0 : i32
        %dma_start3A_128 = tpu.memref_slice %arg3[%dma_start3A_126, %dma_start3A_127] : memref<100000x768xf32, #tpu.memory_space<hbm>> -> memref<100000x768xf32, #tpu.memory_space<hbm>>
        tpu.enqueue_indirect_dma source(%dma_start3A_128 : memref<100000x768xf32, #tpu.memory_space<hbm>>) target(%dma_start3A_124 : memref<32x768xf32, #tpu.memory_space<vmem>>) offsets(%dma_start3A_125 : memref<32xi32, #tpu.memory_space<vmem>>) semaphore(%arg8 : memref<!tpu.dma_semaphore, #tpu.memory_space<semaphore_mem>>)
        %mul3A_129 = arith.constant 64 : i32
        %mul3A_130 = arith.muli %add3A_117, %mul3A_129 : i32
        %add3A_131 = arith.constant 32 : i32
        %add3A_132 = arith.addi %mul3A_130, %add3A_131 : i32
        %dma_start3A_133 = arith.constant 32 : i32
        %dma_start3A_134 = arith.constant 0 : i32
        %dma_start3A_135 = tpu.memref_slice %arg6[%dma_start3A_133, %dma_start3A_134] : memref<64x768xf32, #tpu.memory_space<vmem>> -> memref<32x768xf32, #tpu.memory_space<vmem>>
        %dma_start3A_136 = tpu.memref_slice %arg5[%add3A_132] : memref<512xi32, #tpu.memory_space<vmem>> -> memref<32xi32, #tpu.memory_space<vmem>>
        %dma_start3A_137 = arith.constant 0 : i32
        %dma_start3A_138 = arith.constant 0 : i32
        %dma_start3A_139 = tpu.memref_slice %arg3[%dma_start3A_137, %dma_start3A_138] : memref<100000x768xf32, #tpu.memory_space<hbm>> -> memref<100000x768xf32, #tpu.memory_space<hbm>>
        tpu.enqueue_indirect_dma source(%dma_start3A_139 : memref<100000x768xf32, #tpu.memory_space<hbm>>) target(%dma_start3A_135 : memref<32x768xf32, #tpu.memory_space<vmem>>) offsets(%dma_start3A_136 : memref<32xi32, #tpu.memory_space<vmem>>) semaphore(%arg8 : memref<!tpu.dma_semaphore, #tpu.memory_space<semaphore_mem>>)
      } else {
      }
      %add3A_94 = arith.constant 1 : i32
      %add3A_95 = arith.addi %add3A_74, %add3A_94 : i32
      %dma_wait3A_96 = arith.constant 0 : i32
      %dma_wait3A_97 = tpu.memref_slice %arg5[%dma_wait3A_96] : memref<512xi32, #tpu.memory_space<vmem>> -> memref<64xi32, #tpu.memory_space<vmem>>
      %dma_wait3A_98 = arith.constant 0 : i32
      %dma_wait3A_99 = arith.constant 0 : i32
      %dma_wait3A_100 = tpu.memref_slice %arg3[%dma_wait3A_98, %dma_wait3A_99] : memref<100000x768xf32, #tpu.memory_space<hbm>> -> memref<100000x768xf32, #tpu.memory_space<hbm>>
      tpu.wait_indirect_dma semaphore(%arg8 : memref<!tpu.dma_semaphore, #tpu.memory_space<semaphore_mem>>) src(%dma_wait3A_100 : memref<100000x768xf32, #tpu.memory_space<hbm>>) dst(%arg7 : memref<64x768xf32, #tpu.memory_space<vmem>>)
      %scan3A_101 = arith.constant 0 : i32
      %scan3A_102 = arith.constant 64 : i32
      %scan3A_103 = arith.addi %scan3A_101, %scan3A_102 : i32
      %scan3A_104 = arith.constant 1 : i32
      scf.for %scan3A_116 = %scan3A_101 to %scan3A_103 step %scan3A_104  : i32 {
        %mul3A_117 = arith.constant 1 : i32
        %mul3A_118 = arith.muli %scan3A_116, %mul3A_117 : i32
        %add3A_119 = arith.constant 0 : i32
        %add3A_120 = arith.addi %add3A_119, %mul3A_118 : i32
        %get3A = arith.index_cast %add3A_120 : i32 to index
        %get3A_121 = arith.constant 0 : index
        %get3A_122 = tpu.vector_load %arg7[%get3A, %get3A_121] {strides = array<i32>} : memref<64x768xf32, #tpu.memory_space<vmem>>, vector<1x16xf32>,
        %get3A_123 = vector.shape_cast %get3A_122 : vector<1x16xf32> to vector<16xf32>
        %mul3A_124 = arith.constant 27.7128124 : f32
        %mul3A_125 = vector.broadcast %mul3A_124 : f32 to vector<16xf32>
        %mul3A_126 = arith.mulf %get3A_123, %mul3A_125 : vector<16xf32>
        %swap3A = arith.index_cast %add3A_120 : i32 to index
        %swap3A_127 = arith.constant 0 : index
        %swap3A_128 = tpu.vector_load %arg7[%swap3A, %swap3A_127] {strides = array<i32>} : memref<64x768xf32, #tpu.memory_space<vmem>>, vector<1x16xf32>,
        %swap3A_129 = vector.shape_cast %swap3A_128 : vector<1x16xf32> to vector<16xf32>
        %swap3A_130 = vector.shape_cast %mul3A_126 : vector<16xf32> to vector<1x16xf32>
        tpu.vector_store %arg7[%swap3A, %swap3A_127], %swap3A_130 {strides = array<i32>} : memref<64x768xf32, #tpu.memory_space<vmem>>, vector<1x16xf32>,
        %get3A_131 = arith.index_cast %add3A_120 : i32 to index
        %get3A_132 = arith.constant 16 : index
        %get3A_133 = tpu.vector_load %arg7[%get3A_131, %get3A_132] {strides = array<i32>} : memref<64x768xf32, #tpu.memory_space<vmem>>, vector<1x16xf32>,
        %get3A_134 = vector.shape_cast %get3A_133 : vector<1x16xf32> to vector<16xf32>
        %mul3A_135 = arith.constant 27.7128124 : f32
        %mul3A_136 = vector.broadcast %mul3A_135 : f32 to vector<16xf32>
        %mul3A_137 = arith.mulf %get3A_134, %mul3A_136 : vector<16xf32>
        %swap3A_138 = arith.index_cast %add3A_120 : i32 to index
        %swap3A_139 = arith.constant 16 : index
        %swap3A_140 = tpu.vector_load %arg7[%swap3A_138, %swap3A_139] {strides = array<i32>} : memref<64x768xf32, #tpu.memory_space<vmem>>, vector<1x16xf32>,
        %swap3A_141 = vector.shape_cast %swap3A_140 : vector<1x16xf32> to vector<16xf32>
        %swap3A_142 = vector.shape_cast %mul3A_137 : vector<16xf32> to vector<1x16xf32>
        tpu.vector_store %arg7[%swap3A_138, %swap3A_139], %swap3A_142 {strides = array<i32>} : memref<64x768xf32, #tpu.memory_space<vmem>>, vector<1x16xf32>,
        %get3A_143 = arith.index_cast %add3A_120 : i32 to index
        %get3A_144 = arith.constant 32 : index
        %get3A_145 = tpu.vector_load %arg7[%get3A_143, %get3A_144] {strides = array<i32>} : memref<64x768xf32, #tpu.memory_space<vmem>>, vector<1x16xf32>,
        %get3A_146 = vector.shape_cast %get3A_145 : vector<1x16xf32> to vector<16xf32>
        %mul3A_147 = arith.constant 27.7128124 : f32
        %mul3A_148 = vector.broadcast %mul3A_147 : f32 to vector<16xf32>
        %mul3A_149 = arith.mulf %get3A_146, %mul3A_148 : vector<16xf32>
        %swap3A_150 = arith.index_cast %add3A_120 : i32 to index
        %swap3A_151 = arith.constant 32 : index
        %swap3A_152 = tpu.vector_load %arg7[%swap3A_150, %swap3A_151] {strides = array<i32>} : memref<64x768xf32, #tpu.memory_space<vmem>>, vector<1x16xf32>,
        %swap3A_153 = vector.shape_cast %swap3A_152 : vector<1x16xf32> to vector<16xf32>
        %swap3A_154 = vector.shape_cast %mul3A_149 : vector<16xf32> to vector<1x16xf32>
        tpu.vector_store %arg7[%swap3A_150, %swap3A_151], %swap3A_154 {strides = array<i32>} : memref<64x768xf32, #tpu.memory_space<vmem>>, vector<1x16xf32>,
        %get3A_155 = arith.index_cast %add3A_120 : i32 to index
        %get3A_156 = arith.constant 48 : index
        %get3A_157 = tpu.vector_load %arg7[%get3A_155, %get3A_156] {strides = array<i32>} : memref<64x768xf32, #tpu.memory_space<vmem>>, vector<1x16xf32>,
        %get3A_158 = vector.shape_cast %get3A_157 : vector<1x16xf32> to vector<16xf32>
        %mul3A_159 = arith.constant 27.7128124 : f32
        %mul3A_160 = vector.broadcast %mul3A_159 : f32 to vector<16xf32>
        %mul3A_161 = arith.mulf %get3A_158, %mul3A_160 : vector<16xf32>
        %swap3A_162 = arith.index_cast %add3A_120 : i32 to index
        %swap3A_163 = arith.constant 48 : index
        %swap3A_164 = tpu.vector_load %arg7[%swap3A_162, %swap3A_163] {strides = array<i32>} : memref<64x768xf32, #tpu.memory_space<vmem>>, vector<1x16xf32>,
        %swap3A_165 = vector.shape_cast %swap3A_164 : vector<1x16xf32> to vector<16xf32>
        %swap3A_166 = vector.shape_cast %mul3A_161 : vector<16xf32> to vector<1x16xf32>
        tpu.vector_store %arg7[%swap3A_162, %swap3A_163], %swap3A_166 {strides = array<i32>} : memref<64x768xf32, #tpu.memory_space<vmem>>, vector<1x16xf32>,
        %get3A_167 = arith.index_cast %add3A_120 : i32 to index
        %get3A_168 = arith.constant 64 : index
        %get3A_169 = tpu.vector_load %arg7[%get3A_167, %get3A_168] {strides = array<i32>} : memref<64x768xf32, #tpu.memory_space<vmem>>, vector<1x16xf32>,
        %get3A_170 = vector.shape_cast %get3A_169 : vector<1x16xf32> to vector<16xf32>
        %mul3A_171 = arith.constant 27.7128124 : f32
        %mul3A_172 = vector.broadcast %mul3A_171 : f32 to vector<16xf32>
        %mul3A_173 = arith.mulf %get3A_170, %mul3A_172 : vector<16xf32>
        %swap3A_174 = arith.index_cast %add3A_120 : i32 to index
        %swap3A_175 = arith.constant 64 : index
        %swap3A_176 = tpu.vector_load %arg7[%swap3A_174, %swap3A_175] {strides = array<i32>} : memref<64x768xf32, #tpu.memory_space<vmem>>, vector<1x16xf32>,
        %swap3A_177 = vector.shape_cast %swap3A_176 : vector<1x16xf32> to vector<16xf32>
        %swap3A_178 = vector.shape_cast %mul3A_173 : vector<16xf32> to vector<1x16xf32>
        tpu.vector_store %arg7[%swap3A_174, %swap3A_175], %swap3A_178 {strides = array<i32>} : memref<64x768xf32, #tpu.memory_space<vmem>>, vector<1x16xf32>,
        %get3A_179 = arith.index_cast %add3A_120 : i32 to index
        %get3A_180 = arith.constant 80 : index
        %get3A_181 = tpu.vector_load %arg7[%get3A_179, %get3A_180] {strides = array<i32>} : memref<64x768xf32, #tpu.memory_space<vmem>>, vector<1x16xf32>,
        %get3A_182 = vector.shape_cast %get3A_181 : vector<1x16xf32> to vector<16xf32>
        %mul3A_183 = arith.constant 27.7128124 : f32
        %mul3A_184 = vector.broadcast %mul3A_183 : f32 to vector<16xf32>
        %mul3A_185 = arith.mulf %get3A_182, %mul3A_184 : vector<16xf32>
        %swap3A_186 = arith.index_cast %add3A_120 : i32 to index
        %swap3A_187 = arith.constant 80 : index
        %swap3A_188 = tpu.vector_load %arg7[%swap3A_186, %swap3A_187] {strides = array<i32>} : memref<64x768xf32, #tpu.memory_space<vmem>>, vector<1x16xf32>,
        %swap3A_189 = vector.shape_cast %swap3A_188 : vector<1x16xf32> to vector<16xf32>
        %swap3A_190 = vector.shape_cast %mul3A_185 : vector<16xf32> to vector<1x16xf32>
        tpu.vector_store %arg7[%swap3A_186, %swap3A_187], %swap3A_190 {strides = array<i32>} : memref<64x768xf32, #tpu.memory_space<vmem>>, vector<1x16xf32>,
        %get3A_191 = arith.index_cast %add3A_120 : i32 to index
        %get3A_192 = arith.constant 96 : index
        %get3A_193 = tpu.vector_load %arg7[%get3A_191, %get3A_192] {strides = array<i32>} : memref<64x768xf32, #tpu.memory_space<vmem>>, vector<1x16xf32>,
        %get3A_194 = vector.shape_cast %get3A_193 : vector<1x16xf32> to vector<16xf32>
        %mul3A_195 = arith.constant 27.7128124 : f32
        %mul3A_196 = vector.broadcast %mul3A_195 : f32 to vector<16xf32>
        %mul3A_197 = arith.mulf %get3A_194, %mul3A_196 : vector<16xf32>
        %swap3A_198 = arith.index_cast %add3A_120 : i32 to index
        %swap3A_199 = arith.constant 96 : index
        %swap3A_200 = tpu.vector_load %arg7[%swap3A_198, %swap3A_199] {strides = array<i32>} : memref<64x768xf32, #tpu.memory_space<vmem>>, vector<1x16xf32>,
        %swap3A_201 = vector.shape_cast %swap3A_200 : vector<1x16xf32> to vector<16xf32>
        %swap3A_202 = vector.shape_cast %mul3A_197 : vector<16xf32> to vector<1x16xf32>
        tpu.vector_store %arg7[%swap3A_198, %swap3A_199], %swap3A_202 {strides = array<i32>} : memref<64x768xf32, #tpu.memory_space<vmem>>, vector<1x16xf32>,
        %get3A_203 = arith.index_cast %add3A_120 : i32 to index
        %get3A_204 = arith.constant 112 : index
        %get3A_205 = tpu.vector_load %arg7[%get3A_203, %get3A_204] {strides = array<i32>} : memref<64x768xf32, #tpu.memory_space<vmem>>, vector<1x16xf32>,
        %get3A_206 = vector.shape_cast %get3A_205 : vector<1x16xf32> to vector<16xf32>
        %mul3A_207 = arith.constant 27.7128124 : f32
        %mul3A_208 = vector.broadcast %mul3A_207 : f32 to vector<16xf32>
        %mul3A_209 = arith.mulf %get3A_206, %mul3A_208 : vector<16xf32>
        %swap3A_210 = arith.index_cast %add3A_120 : i32 to index
        %swap3A_211 = arith.constant 112 : index
        %swap3A_212 = tpu.vector_load %arg7[%swap3A_210, %swap3A_211] {strides = array<i32>} : memref<64x768xf32, #tpu.memory_space<vmem>>, vector<1x16xf32>,
        %swap3A_213 = vector.shape_cast %swap3A_212 : vector<1x16xf32> to vector<16xf32>
        %swap3A_214 = vector.shape_cast %mul3A_209 : vector<16xf32> to vector<1x16xf32>
        tpu.vector_store %arg7[%swap3A_210, %swap3A_211], %swap3A_214 {strides = array<i32>} : memref<64x768xf32, #tpu.memory_space<vmem>>, vector<1x16xf32>,
        %get3A_215 = arith.index_cast %add3A_120 : i32 to index
        %get3A_216 = arith.constant 128 : index
        %get3A_217 = tpu.vector_load %arg7[%get3A_215, %get3A_216] {strides = array<i32>} : memref<64x768xf32, #tpu.memory_space<vmem>>, vector<1x16xf32>,
        %get3A_218 = vector.shape_cast %get3A_217 : vector<1x16xf32> to vector<16xf32>
        %mul3A_219 = arith.constant 27.7128124 : f32
        %mul3A_220 = vector.broadcast %mul3A_219 : f32 to vector<16xf32>
        %mul3A_221 = arith.mulf %get3A_218, %mul3A_220 : vector<16xf32>
        %swap3A_222 = arith.index_cast %add3A_120 : i32 to index
        %swap3A_223 = arith.constant 128 : index
        %swap3A_224 = tpu.vector_load %arg7[%swap3A_222, %swap3A_223] {strides = array<i32>} : memref<64x768xf32, #tpu.memory_space<vmem>>, vector<1x16xf32>,
        %swap3A_225 = vector.shape_cast %swap3A_224 : vector<1x16xf32> to vector<16xf32>
        %swap3A_226 = vector.shape_cast %mul3A_221 : vector<16xf32> to vector<1x16xf32>
        tpu.vector_store %arg7[%swap3A_222, %swap3A_223], %swap3A_226 {strides = array<i32>} : memref<64x768xf32, #tpu.memory_space<vmem>>, vector<1x16xf32>,
        %get3A_227 = arith.index_cast %add3A_120 : i32 to index
        %get3A_228 = arith.constant 144 : index
        %get3A_229 = tpu.vector_load %arg7[%get3A_227, %get3A_228] {strides = array<i32>} : memref<64x768xf32, #tpu.memory_space<vmem>>, vector<1x16xf32>,
        %get3A_230 = vector.shape_cast %get3A_229 : vector<1x16xf32> to vector<16xf32>
        %mul3A_231 = arith.constant 27.7128124 : f32
        %mul3A_232 = vector.broadcast %mul3A_231 : f32 to vector<16xf32>
        %mul3A_233 = arith.mulf %get3A_230, %mul3A_232 : vector<16xf32>
        %swap3A_234 = arith.index_cast %add3A_120 : i32 to index
        %swap3A_235 = arith.constant 144 : index
        %swap3A_236 = tpu.vector_load %arg7[%swap3A_234, %swap3A_235] {strides = array<i32>} : memref<64x768xf32, #tpu.memory_space<vmem>>, vector<1x16xf32>,
        %swap3A_237 = vector.shape_cast %swap3A_236 : vector<1x16xf32> to vector<16xf32>
        %swap3A_238 = vector.shape_cast %mul3A_233 : vector<16xf32> to vector<1x16xf32>
        tpu.vector_store %arg7[%swap3A_234, %swap3A_235], %swap3A_238 {strides = array<i32>} : memref<64x768xf32, #tpu.memory_space<vmem>>, vector<1x16xf32>,
        %get3A_239 = arith.index_cast %add3A_120 : i32 to index
        %get3A_240 = arith.constant 160 : index
        %get3A_241 = tpu.vector_load %arg7[%get3A_239, %get3A_240] {strides = array<i32>} : memref<64x768xf32, #tpu.memory_space<vmem>>, vector<1x16xf32>,
        %get3A_242 = vector.shape_cast %get3A_241 : vector<1x16xf32> to vector<16xf32>
        %mul3A_243 = arith.constant 27.7128124 : f32
        %mul3A_244 = vector.broadcast %mul3A_243 : f32 to vector<16xf32>
        %mul3A_245 = arith.mulf %get3A_242, %mul3A_244 : vector<16xf32>
        %swap3A_246 = arith.index_cast %add3A_120 : i32 to index
        %swap3A_247 = arith.constant 160 : index
        %swap3A_248 = tpu.vector_load %arg7[%swap3A_246, %swap3A_247] {strides = array<i32>} : memref<64x768xf32, #tpu.memory_space<vmem>>, vector<1x16xf32>,
        %swap3A_249 = vector.shape_cast %swap3A_248 : vector<1x16xf32> to vector<16xf32>
        %swap3A_250 = vector.shape_cast %mul3A_245 : vector<16xf32> to vector<1x16xf32>
        tpu.vector_store %arg7[%swap3A_246, %swap3A_247], %swap3A_250 {strides = array<i32>} : memref<64x768xf32, #tpu.memory_space<vmem>>, vector<1x16xf32>,
        %get3A_251 = arith.index_cast %add3A_120 : i32 to index
        %get3A_252 = arith.constant 176 : index
        %get3A_253 = tpu.vector_load %arg7[%get3A_251, %get3A_252] {strides = array<i32>} : memref<64x768xf32, #tpu.memory_space<vmem>>, vector<1x16xf32>,
        %get3A_254 = vector.shape_cast %get3A_253 : vector<1x16xf32> to vector<16xf32>
        %mul3A_255 = arith.constant 27.7128124 : f32
        %mul3A_256 = vector.broadcast %mul3A_255 : f32 to vector<16xf32>
        %mul3A_257 = arith.mulf %get3A_254, %mul3A_256 : vector<16xf32>
        %swap3A_258 = arith.index_cast %add3A_120 : i32 to index
        %swap3A_259 = arith.constant 176 : index
        %swap3A_260 = tpu.vector_load %arg7[%swap3A_258, %swap3A_259] {strides = array<i32>} : memref<64x768xf32, #tpu.memory_space<vmem>>, vector<1x16xf32>,
        %swap3A_261 = vector.shape_cast %swap3A_260 : vector<1x16xf32> to vector<16xf32>
        %swap3A_262 = vector.shape_cast %mul3A_257 : vector<16xf32> to vector<1x16xf32>
        tpu.vector_store %arg7[%swap3A_258, %swap3A_259], %swap3A_262 {strides = array<i32>} : memref<64x768xf32, #tpu.memory_space<vmem>>, vector<1x16xf32>,
        %get3A_263 = arith.index_cast %add3A_120 : i32 to index
        %get3A_264 = arith.constant 192 : index
        %get3A_265 = tpu.vector_load %arg7[%get3A_263, %get3A_264] {strides = array<i32>} : memref<64x768xf32, #tpu.memory_space<vmem>>, vector<1x16xf32>,
        %get3A_266 = vector.shape_cast %get3A_265 : vector<1x16xf32> to vector<16xf32>
        %mul3A_267 = arith.constant 27.7128124 : f32
        %mul3A_268 = vector.broadcast %mul3A_267 : f32 to vector<16xf32>
        %mul3A_269 = arith.mulf %get3A_266, %mul3A_268 : vector<16xf32>
        %swap3A_270 = arith.index_cast %add3A_120 : i32 to index
        %swap3A_271 = arith.constant 192 : index
        %swap3A_272 = tpu.vector_load %arg7[%swap3A_270, %swap3A_271] {strides = array<i32>} : memref<64x768xf32, #tpu.memory_space<vmem>>, vector<1x16xf32>,
        %swap3A_273 = vector.shape_cast %swap3A_272 : vector<1x16xf32> to vector<16xf32>
        %swap3A_274 = vector.shape_cast %mul3A_269 : vector<16xf32> to vector<1x16xf32>
        tpu.vector_store %arg7[%swap3A_270, %swap3A_271], %swap3A_274 {strides = array<i32>} : memref<64x768xf32, #tpu.memory_space<vmem>>, vector<1x16xf32>,
        %get3A_275 = arith.index_cast %add3A_120 : i32 to index
        %get3A_276 = arith.constant 208 : index
        %get3A_277 = tpu.vector_load %arg7[%get3A_275, %get3A_276] {strides = array<i32>} : memref<64x768xf32, #tpu.memory_space<vmem>>, vector<1x16xf32>,
        %get3A_278 = vector.shape_cast %get3A_277 : vector<1x16xf32> to vector<16xf32>
        %mul3A_279 = arith.constant 27.7128124 : f32
        %mul3A_280 = vector.broadcast %mul3A_279 : f32 to vector<16xf32>
        %mul3A_281 = arith.mulf %get3A_278, %mul3A_280 : vector<16xf32>
        %swap3A_282 = arith.index_cast %add3A_120 : i32 to index
        %swap3A_283 = arith.constant 208 : index
        %swap3A_284 = tpu.vector_load %arg7[%swap3A_282, %swap3A_283] {strides = array<i32>} : memref<64x768xf32, #tpu.memory_space<vmem>>, vector<1x16xf32>,
        %swap3A_285 = vector.shape_cast %swap3A_284 : vector<1x16xf32> to vector<16xf32>
        %swap3A_286 = vector.shape_cast %mul3A_281 : vector<16xf32> to vector<1x16xf32>
        tpu.vector_store %arg7[%swap3A_282, %swap3A_283], %swap3A_286 {strides = array<i32>} : memref<64x768xf32, #tpu.memory_space<vmem>>, vector<1x16xf32>,
        %get3A_287 = arith.index_cast %add3A_120 : i32 to index
        %get3A_288 = arith.constant 224 : index
        %get3A_289 = tpu.vector_load %arg7[%get3A_287, %get3A_288] {strides = array<i32>} : memref<64x768xf32, #tpu.memory_space<vmem>>, vector<1x16xf32>,
        %get3A_290 = vector.shape_cast %get3A_289 : vector<1x16xf32> to vector<16xf32>
        %mul3A_291 = arith.constant 27.7128124 : f32
        %mul3A_292 = vector.broadcast %mul3A_291 : f32 to vector<16xf32>
        %mul3A_293 = arith.mulf %get3A_290, %mul3A_292 : vector<16xf32>
        %swap3A_294 = arith.index_cast %add3A_120 : i32 to index
        %swap3A_295 = arith.constant 224 : index
        %swap3A_296 = tpu.vector_load %arg7[%swap3A_294, %swap3A_295] {strides = array<i32>} : memref<64x768xf32, #tpu.memory_space<vmem>>, vector<1x16xf32>,
        %swap3A_297 = vector.shape_cast %swap3A_296 : vector<1x16xf32> to vector<16xf32>
        %swap3A_298 = vector.shape_cast %mul3A_293 : vector<16xf32> to vector<1x16xf32>
        tpu.vector_store %arg7[%swap3A_294, %swap3A_295], %swap3A_298 {strides = array<i32>} : memref<64x768xf32, #tpu.memory_space<vmem>>, vector<1x16xf32>,
        %get3A_299 = arith.index_cast %add3A_120 : i32 to index
        %get3A_300 = arith.constant 240 : index
        %get3A_301 = tpu.vector_load %arg7[%get3A_299, %get3A_300] {strides = array<i32>} : memref<64x768xf32, #tpu.memory_space<vmem>>, vector<1x16xf32>,
        %get3A_302 = vector.shape_cast %get3A_301 : vector<1x16xf32> to vector<16xf32>
        %mul3A_303 = arith.constant 27.7128124 : f32
        %mul3A_304 = vector.broadcast %mul3A_303 : f32 to vector<16xf32>
        %mul3A_305 = arith.mulf %get3A_302, %mul3A_304 : vector<16xf32>
        %swap3A_306 = arith.index_cast %add3A_120 : i32 to index
        %swap3A_307 = arith.constant 240 : index
        %swap3A_308 = tpu.vector_load %arg7[%swap3A_306, %swap3A_307] {strides = array<i32>} : memref<64x768xf32, #tpu.memory_space<vmem>>, vector<1x16xf32>,
        %swap3A_309 = vector.shape_cast %swap3A_308 : vector<1x16xf32> to vector<16xf32>
        %swap3A_310 = vector.shape_cast %mul3A_305 : vector<16xf32> to vector<1x16xf32>
        tpu.vector_store %arg7[%swap3A_306, %swap3A_307], %swap3A_310 {strides = array<i32>} : memref<64x768xf32, #tpu.memory_space<vmem>>, vector<1x16xf32>,
        %get3A_311 = arith.index_cast %add3A_120 : i32 to index
        %get3A_312 = arith.constant 256 : index
        %get3A_313 = tpu.vector_load %arg7[%get3A_311, %get3A_312] {strides = array<i32>} : memref<64x768xf32, #tpu.memory_space<vmem>>, vector<1x16xf32>,
        %get3A_314 = vector.shape_cast %get3A_313 : vector<1x16xf32> to vector<16xf32>
        %mul3A_315 = arith.constant 27.7128124 : f32
        %mul3A_316 = vector.broadcast %mul3A_315 : f32 to vector<16xf32>
        %mul3A_317 = arith.mulf %get3A_314, %mul3A_316 : vector<16xf32>
        %swap3A_318 = arith.index_cast %add3A_120 : i32 to index
        %swap3A_319 = arith.constant 256 : index
        %swap3A_320 = tpu.vector_load %arg7[%swap3A_318, %swap3A_319] {strides = array<i32>} : memref<64x768xf32, #tpu.memory_space<vmem>>, vector<1x16xf32>,
        %swap3A_321 = vector.shape_cast %swap3A_320 : vector<1x16xf32> to vector<16xf32>
        %swap3A_322 = vector.shape_cast %mul3A_317 : vector<16xf32> to vector<1x16xf32>
        tpu.vector_store %arg7[%swap3A_318, %swap3A_319], %swap3A_322 {strides = array<i32>} : memref<64x768xf32, #tpu.memory_space<vmem>>, vector<1x16xf32>,
        %get3A_323 = arith.index_cast %add3A_120 : i32 to index
        %get3A_324 = arith.constant 272 : index
        %get3A_325 = tpu.vector_load %arg7[%get3A_323, %get3A_324] {strides = array<i32>} : memref<64x768xf32, #tpu.memory_space<vmem>>, vector<1x16xf32>,
        %get3A_326 = vector.shape_cast %get3A_325 : vector<1x16xf32> to vector<16xf32>
        %mul3A_327 = arith.constant 27.7128124 : f32
        %mul3A_328 = vector.broadcast %mul3A_327 : f32 to vector<16xf32>
        %mul3A_329 = arith.mulf %get3A_326, %mul3A_328 : vector<16xf32>
        %swap3A_330 = arith.index_cast %add3A_120 : i32 to index
        %swap3A_331 = arith.constant 272 : index
        %swap3A_332 = tpu.vector_load %arg7[%swap3A_330, %swap3A_331] {strides = array<i32>} : memref<64x768xf32, #tpu.memory_space<vmem>>, vector<1x16xf32>,
        %swap3A_333 = vector.shape_cast %swap3A_332 : vector<1x16xf32> to vector<16xf32>
        %swap3A_334 = vector.shape_cast %mul3A_329 : vector<16xf32> to vector<1x16xf32>
        tpu.vector_store %arg7[%swap3A_330, %swap3A_331], %swap3A_334 {strides = array<i32>} : memref<64x768xf32, #tpu.memory_space<vmem>>, vector<1x16xf32>,
        %get3A_335 = arith.index_cast %add3A_120 : i32 to index
        %get3A_336 = arith.constant 288 : index
        %get3A_337 = tpu.vector_load %arg7[%get3A_335, %get3A_336] {strides = array<i32>} : memref<64x768xf32, #tpu.memory_space<vmem>>, vector<1x16xf32>,
        %get3A_338 = vector.shape_cast %get3A_337 : vector<1x16xf32> to vector<16xf32>
        %mul3A_339 = arith.constant 27.7128124 : f32
        %mul3A_340 = vector.broadcast %mul3A_339 : f32 to vector<16xf32>
        %mul3A_341 = arith.mulf %get3A_338, %mul3A_340 : vector<16xf32>
        %swap3A_342 = arith.index_cast %add3A_120 : i32 to index
        %swap3A_343 = arith.constant 288 : index
        %swap3A_344 = tpu.vector_load %arg7[%swap3A_342, %swap3A_343] {strides = array<i32>} : memref<64x768xf32, #tpu.memory_space<vmem>>, vector<1x16xf32>,
        %swap3A_345 = vector.shape_cast %swap3A_344 : vector<1x16xf32> to vector<16xf32>
        %swap3A_346 = vector.shape_cast %mul3A_341 : vector<16xf32> to vector<1x16xf32>
        tpu.vector_store %arg7[%swap3A_342, %swap3A_343], %swap3A_346 {strides = array<i32>} : memref<64x768xf32, #tpu.memory_space<vmem>>, vector<1x16xf32>,
        %get3A_347 = arith.index_cast %add3A_120 : i32 to index
        %get3A_348 = arith.constant 304 : index
        %get3A_349 = tpu.vector_load %arg7[%get3A_347, %get3A_348] {strides = array<i32>} : memref<64x768xf32, #tpu.memory_space<vmem>>, vector<1x16xf32>,
        %get3A_350 = vector.shape_cast %get3A_349 : vector<1x16xf32> to vector<16xf32>
        %mul3A_351 = arith.constant 27.7128124 : f32
        %mul3A_352 = vector.broadcast %mul3A_351 : f32 to vector<16xf32>
        %mul3A_353 = arith.mulf %get3A_350, %mul3A_352 : vector<16xf32>
        %swap3A_354 = arith.index_cast %add3A_120 : i32 to index
        %swap3A_355 = arith.constant 304 : index
        %swap3A_356 = tpu.vector_load %arg7[%swap3A_354, %swap3A_355] {strides = array<i32>} : memref<64x768xf32, #tpu.memory_space<vmem>>, vector<1x16xf32>,
        %swap3A_357 = vector.shape_cast %swap3A_356 : vector<1x16xf32> to vector<16xf32>
        %swap3A_358 = vector.shape_cast %mul3A_353 : vector<16xf32> to vector<1x16xf32>
        tpu.vector_store %arg7[%swap3A_354, %swap3A_355], %swap3A_358 {strides = array<i32>} : memref<64x768xf32, #tpu.memory_space<vmem>>, vector<1x16xf32>,
        %get3A_359 = arith.index_cast %add3A_120 : i32 to index
        %get3A_360 = arith.constant 320 : index
        %get3A_361 = tpu.vector_load %arg7[%get3A_359, %get3A_360] {strides = array<i32>} : memref<64x768xf32, #tpu.memory_space<vmem>>, vector<1x16xf32>,
        %get3A_362 = vector.shape_cast %get3A_361 : vector<1x16xf32> to vector<16xf32>
        %mul3A_363 = arith.constant 27.7128124 : f32
        %mul3A_364 = vector.broadcast %mul3A_363 : f32 to vector<16xf32>
        %mul3A_365 = arith.mulf %get3A_362, %mul3A_364 : vector<16xf32>
        %swap3A_366 = arith.index_cast %add3A_120 : i32 to index
        %swap3A_367 = arith.constant 320 : index
        %swap3A_368 = tpu.vector_load %arg7[%swap3A_366, %swap3A_367] {strides = array<i32>} : memref<64x768xf32, #tpu.memory_space<vmem>>, vector<1x16xf32>,
        %swap3A_369 = vector.shape_cast %swap3A_368 : vector<1x16xf32> to vector<16xf32>
        %swap3A_370 = vector.shape_cast %mul3A_365 : vector<16xf32> to vector<1x16xf32>
        tpu.vector_store %arg7[%swap3A_366, %swap3A_367], %swap3A_370 {strides = array<i32>} : memref<64x768xf32, #tpu.memory_space<vmem>>, vector<1x16xf32>,
        %get3A_371 = arith.index_cast %add3A_120 : i32 to index
        %get3A_372 = arith.constant 336 : index
        %get3A_373 = tpu.vector_load %arg7[%get3A_371, %get3A_372] {strides = array<i32>} : memref<64x768xf32, #tpu.memory_space<vmem>>, vector<1x16xf32>,
        %get3A_374 = vector.shape_cast %get3A_373 : vector<1x16xf32> to vector<16xf32>
        %mul3A_375 = arith.constant 27.7128124 : f32
        %mul3A_376 = vector.broadcast %mul3A_375 : f32 to vector<16xf32>
        %mul3A_377 = arith.mulf %get3A_374, %mul3A_376 : vector<16xf32>
        %swap3A_378 = arith.index_cast %add3A_120 : i32 to index
        %swap3A_379 = arith.constant 336 : index
        %swap3A_380 = tpu.vector_load %arg7[%swap3A_378, %swap3A_379] {strides = array<i32>} : memref<64x768xf32, #tpu.memory_space<vmem>>, vector<1x16xf32>,
        %swap3A_381 = vector.shape_cast %swap3A_380 : vector<1x16xf32> to vector<16xf32>
        %swap3A_382 = vector.shape_cast %mul3A_377 : vector<16xf32> to vector<1x16xf32>
        tpu.vector_store %arg7[%swap3A_378, %swap3A_379], %swap3A_382 {strides = array<i32>} : memref<64x768xf32, #tpu.memory_space<vmem>>, vector<1x16xf32>,
        %get3A_383 = arith.index_cast %add3A_120 : i32 to index
        %get3A_384 = arith.constant 352 : index
        %get3A_385 = tpu.vector_load %arg7[%get3A_383, %get3A_384] {strides = array<i32>} : memref<64x768xf32, #tpu.memory_space<vmem>>, vector<1x16xf32>,
        %get3A_386 = vector.shape_cast %get3A_385 : vector<1x16xf32> to vector<16xf32>
        %mul3A_387 = arith.constant 27.7128124 : f32
        %mul3A_388 = vector.broadcast %mul3A_387 : f32 to vector<16xf32>
        %mul3A_389 = arith.mulf %get3A_386, %mul3A_388 : vector<16xf32>
        %swap3A_390 = arith.index_cast %add3A_120 : i32 to index
        %swap3A_391 = arith.constant 352 : index
        %swap3A_392 = tpu.vector_load %arg7[%swap3A_390, %swap3A_391] {strides = array<i32>} : memref<64x768xf32, #tpu.memory_space<vmem>>, vector<1x16xf32>,
        %swap3A_393 = vector.shape_cast %swap3A_392 : vector<1x16xf32> to vector<16xf32>
        %swap3A_394 = vector.shape_cast %mul3A_389 : vector<16xf32> to vector<1x16xf32>
        tpu.vector_store %arg7[%swap3A_390, %swap3A_391], %swap3A_394 {strides = array<i32>} : memref<64x768xf32, #tpu.memory_space<vmem>>, vector<1x16xf32>,
        %get3A_395 = arith.index_cast %add3A_120 : i32 to index
        %get3A_396 = arith.constant 368 : index
        %get3A_397 = tpu.vector_load %arg7[%get3A_395, %get3A_396] {strides = array<i32>} : memref<64x768xf32, #tpu.memory_space<vmem>>, vector<1x16xf32>,
        %get3A_398 = vector.shape_cast %get3A_397 : vector<1x16xf32> to vector<16xf32>
        %mul3A_399 = arith.constant 27.7128124 : f32
        %mul3A_400 = vector.broadcast %mul3A_399 : f32 to vector<16xf32>
        %mul3A_401 = arith.mulf %get3A_398, %mul3A_400 : vector<16xf32>
        %swap3A_402 = arith.index_cast %add3A_120 : i32 to index
        %swap3A_403 = arith.constant 368 : index
        %swap3A_404 = tpu.vector_load %arg7[%swap3A_402, %swap3A_403] {strides = array<i32>} : memref<64x768xf32, #tpu.memory_space<vmem>>, vector<1x16xf32>,
        %swap3A_405 = vector.shape_cast %swap3A_404 : vector<1x16xf32> to vector<16xf32>
        %swap3A_406 = vector.shape_cast %mul3A_401 : vector<16xf32> to vector<1x16xf32>
        tpu.vector_store %arg7[%swap3A_402, %swap3A_403], %swap3A_406 {strides = array<i32>} : memref<64x768xf32, #tpu.memory_space<vmem>>, vector<1x16xf32>,
        %get3A_407 = arith.index_cast %add3A_120 : i32 to index
        %get3A_408 = arith.constant 384 : index
        %get3A_409 = tpu.vector_load %arg7[%get3A_407, %get3A_408] {strides = array<i32>} : memref<64x768xf32, #tpu.memory_space<vmem>>, vector<1x16xf32>,
        %get3A_410 = vector.shape_cast %get3A_409 : vector<1x16xf32> to vector<16xf32>
        %mul3A_411 = arith.constant 27.7128124 : f32
        %mul3A_412 = vector.broadcast %mul3A_411 : f32 to vector<16xf32>
        %mul3A_413 = arith.mulf %get3A_410, %mul3A_412 : vector<16xf32>
        %swap3A_414 = arith.index_cast %add3A_120 : i32 to index
        %swap3A_415 = arith.constant 384 : index
        %swap3A_416 = tpu.vector_load %arg7[%swap3A_414, %swap3A_415] {strides = array<i32>} : memref<64x768xf32, #tpu.memory_space<vmem>>, vector<1x16xf32>,
        %swap3A_417 = vector.shape_cast %swap3A_416 : vector<1x16xf32> to vector<16xf32>
        %swap3A_418 = vector.shape_cast %mul3A_413 : vector<16xf32> to vector<1x16xf32>
        tpu.vector_store %arg7[%swap3A_414, %swap3A_415], %swap3A_418 {strides = array<i32>} : memref<64x768xf32, #tpu.memory_space<vmem>>, vector<1x16xf32>,
        %get3A_419 = arith.index_cast %add3A_120 : i32 to index
        %get3A_420 = arith.constant 400 : index
        %get3A_421 = tpu.vector_load %arg7[%get3A_419, %get3A_420] {strides = array<i32>} : memref<64x768xf32, #tpu.memory_space<vmem>>, vector<1x16xf32>,
        %get3A_422 = vector.shape_cast %get3A_421 : vector<1x16xf32> to vector<16xf32>
        %mul3A_423 = arith.constant 27.7128124 : f32
        %mul3A_424 = vector.broadcast %mul3A_423 : f32 to vector<16xf32>
        %mul3A_425 = arith.mulf %get3A_422, %mul3A_424 : vector<16xf32>
        %swap3A_426 = arith.index_cast %add3A_120 : i32 to index
        %swap3A_427 = arith.constant 400 : index
        %swap3A_428 = tpu.vector_load %arg7[%swap3A_426, %swap3A_427] {strides = array<i32>} : memref<64x768xf32, #tpu.memory_space<vmem>>, vector<1x16xf32>,
        %swap3A_429 = vector.shape_cast %swap3A_428 : vector<1x16xf32> to vector<16xf32>
        %swap3A_430 = vector.shape_cast %mul3A_425 : vector<16xf32> to vector<1x16xf32>
        tpu.vector_store %arg7[%swap3A_426, %swap3A_427], %swap3A_430 {strides = array<i32>} : memref<64x768xf32, #tpu.memory_space<vmem>>, vector<1x16xf32>,
        %get3A_431 = arith.index_cast %add3A_120 : i32 to index
        %get3A_432 = arith.constant 416 : index
        %get3A_433 = tpu.vector_load %arg7[%get3A_431, %get3A_432] {strides = array<i32>} : memref<64x768xf32, #tpu.memory_space<vmem>>, vector<1x16xf32>,
        %get3A_434 = vector.shape_cast %get3A_433 : vector<1x16xf32> to vector<16xf32>
        %mul3A_435 = arith.constant 27.7128124 : f32
        %mul3A_436 = vector.broadcast %mul3A_435 : f32 to vector<16xf32>
        %mul3A_437 = arith.mulf %get3A_434, %mul3A_436 : vector<16xf32>
        %swap3A_438 = arith.index_cast %add3A_120 : i32 to index
        %swap3A_439 = arith.constant 416 : index
        %swap3A_440 = tpu.vector_load %arg7[%swap3A_438, %swap3A_439] {strides = array<i32>} : memref<64x768xf32, #tpu.memory_space<vmem>>, vector<1x16xf32>,
        %swap3A_441 = vector.shape_cast %swap3A_440 : vector<1x16xf32> to vector<16xf32>
        %swap3A_442 = vector.shape_cast %mul3A_437 : vector<16xf32> to vector<1x16xf32>
        tpu.vector_store %arg7[%swap3A_438, %swap3A_439], %swap3A_442 {strides = array<i32>} : memref<64x768xf32, #tpu.memory_space<vmem>>, vector<1x16xf32>,
        %get3A_443 = arith.index_cast %add3A_120 : i32 to index
        %get3A_444 = arith.constant 432 : index
        %get3A_445 = tpu.vector_load %arg7[%get3A_443, %get3A_444] {strides = array<i32>} : memref<64x768xf32, #tpu.memory_space<vmem>>, vector<1x16xf32>,
        %get3A_446 = vector.shape_cast %get3A_445 : vector<1x16xf32> to vector<16xf32>
        %mul3A_447 = arith.constant 27.7128124 : f32
        %mul3A_448 = vector.broadcast %mul3A_447 : f32 to vector<16xf32>
        %mul3A_449 = arith.mulf %get3A_446, %mul3A_448 : vector<16xf32>
        %swap3A_450 = arith.index_cast %add3A_120 : i32 to index
        %swap3A_451 = arith.constant 432 : index
        %swap3A_452 = tpu.vector_load %arg7[%swap3A_450, %swap3A_451] {strides = array<i32>} : memref<64x768xf32, #tpu.memory_space<vmem>>, vector<1x16xf32>,
        %swap3A_453 = vector.shape_cast %swap3A_452 : vector<1x16xf32> to vector<16xf32>
        %swap3A_454 = vector.shape_cast %mul3A_449 : vector<16xf32> to vector<1x16xf32>
        tpu.vector_store %arg7[%swap3A_450, %swap3A_451], %swap3A_454 {strides = array<i32>} : memref<64x768xf32, #tpu.memory_space<vmem>>, vector<1x16xf32>,
        %get3A_455 = arith.index_cast %add3A_120 : i32 to index
        %get3A_456 = arith.constant 448 : index
        %get3A_457 = tpu.vector_load %arg7[%get3A_455, %get3A_456] {strides = array<i32>} : memref<64x768xf32, #tpu.memory_space<vmem>>, vector<1x16xf32>,
        %get3A_458 = vector.shape_cast %get3A_457 : vector<1x16xf32> to vector<16xf32>
        %mul3A_459 = arith.constant 27.7128124 : f32
        %mul3A_460 = vector.broadcast %mul3A_459 : f32 to vector<16xf32>
        %mul3A_461 = arith.mulf %get3A_458, %mul3A_460 : vector<16xf32>
        %swap3A_462 = arith.index_cast %add3A_120 : i32 to index
        %swap3A_463 = arith.constant 448 : index
        %swap3A_464 = tpu.vector_load %arg7[%swap3A_462, %swap3A_463] {strides = array<i32>} : memref<64x768xf32, #tpu.memory_space<vmem>>, vector<1x16xf32>,
        %swap3A_465 = vector.shape_cast %swap3A_464 : vector<1x16xf32> to vector<16xf32>
        %swap3A_466 = vector.shape_cast %mul3A_461 : vector<16xf32> to vector<1x16xf32>
        tpu.vector_store %arg7[%swap3A_462, %swap3A_463], %swap3A_466 {strides = array<i32>} : memref<64x768xf32, #tpu.memory_space<vmem>>, vector<1x16xf32>,
        %get3A_467 = arith.index_cast %add3A_120 : i32 to index
        %get3A_468 = arith.constant 464 : index
        %get3A_469 = tpu.vector_load %arg7[%get3A_467, %get3A_468] {strides = array<i32>} : memref<64x768xf32, #tpu.memory_space<vmem>>, vector<1x16xf32>,
        %get3A_470 = vector.shape_cast %get3A_469 : vector<1x16xf32> to vector<16xf32>
        %mul3A_471 = arith.constant 27.7128124 : f32
        %mul3A_472 = vector.broadcast %mul3A_471 : f32 to vector<16xf32>
        %mul3A_473 = arith.mulf %get3A_470, %mul3A_472 : vector<16xf32>
        %swap3A_474 = arith.index_cast %add3A_120 : i32 to index
        %swap3A_475 = arith.constant 464 : index
        %swap3A_476 = tpu.vector_load %arg7[%swap3A_474, %swap3A_475] {strides = array<i32>} : memref<64x768xf32, #tpu.memory_space<vmem>>, vector<1x16xf32>,
        %swap3A_477 = vector.shape_cast %swap3A_476 : vector<1x16xf32> to vector<16xf32>
        %swap3A_478 = vector.shape_cast %mul3A_473 : vector<16xf32> to vector<1x16xf32>
        tpu.vector_store %arg7[%swap3A_474, %swap3A_475], %swap3A_478 {strides = array<i32>} : memref<64x768xf32, #tpu.memory_space<vmem>>, vector<1x16xf32>,
        %get3A_479 = arith.index_cast %add3A_120 : i32 to index
        %get3A_480 = arith.constant 480 : index
        %get3A_481 = tpu.vector_load %arg7[%get3A_479, %get3A_480] {strides = array<i32>} : memref<64x768xf32, #tpu.memory_space<vmem>>, vector<1x16xf32>,
        %get3A_482 = vector.shape_cast %get3A_481 : vector<1x16xf32> to vector<16xf32>
        %mul3A_483 = arith.constant 27.7128124 : f32
        %mul3A_484 = vector.broadcast %mul3A_483 : f32 to vector<16xf32>
        %mul3A_485 = arith.mulf %get3A_482, %mul3A_484 : vector<16xf32>
        %swap3A_486 = arith.index_cast %add3A_120 : i32 to index
        %swap3A_487 = arith.constant 480 : index
        %swap3A_488 = tpu.vector_load %arg7[%swap3A_486, %swap3A_487] {strides = array<i32>} : memref<64x768xf32, #tpu.memory_space<vmem>>, vector<1x16xf32>,
        %swap3A_489 = vector.shape_cast %swap3A_488 : vector<1x16xf32> to vector<16xf32>
        %swap3A_490 = vector.shape_cast %mul3A_485 : vector<16xf32> to vector<1x16xf32>
        tpu.vector_store %arg7[%swap3A_486, %swap3A_487], %swap3A_490 {strides = array<i32>} : memref<64x768xf32, #tpu.memory_space<vmem>>, vector<1x16xf32>,
        %get3A_491 = arith.index_cast %add3A_120 : i32 to index
        %get3A_492 = arith.constant 496 : index
        %get3A_493 = tpu.vector_load %arg7[%get3A_491, %get3A_492] {strides = array<i32>} : memref<64x768xf32, #tpu.memory_space<vmem>>, vector<1x16xf32>,
        %get3A_494 = vector.shape_cast %get3A_493 : vector<1x16xf32> to vector<16xf32>
        %mul3A_495 = arith.constant 27.7128124 : f32
        %mul3A_496 = vector.broadcast %mul3A_495 : f32 to vector<16xf32>
        %mul3A_497 = arith.mulf %get3A_494, %mul3A_496 : vector<16xf32>
        %swap3A_498 = arith.index_cast %add3A_120 : i32 to index
        %swap3A_499 = arith.constant 496 : index
        %swap3A_500 = tpu.vector_load %arg7[%swap3A_498, %swap3A_499] {strides = array<i32>} : memref<64x768xf32, #tpu.memory_space<vmem>>, vector<1x16xf32>,
        %swap3A_501 = vector.shape_cast %swap3A_500 : vector<1x16xf32> to vector<16xf32>
        %swap3A_502 = vector.shape_cast %mul3A_497 : vector<16xf32> to vector<1x16xf32>
        tpu.vector_store %arg7[%swap3A_498, %swap3A_499], %swap3A_502 {strides = array<i32>} : memref<64x768xf32, #tpu.memory_space<vmem>>, vector<1x16xf32>,
        %get3A_503 = arith.index_cast %add3A_120 : i32 to index
        %get3A_504 = arith.constant 512 : index
        %get3A_505 = tpu.vector_load %arg7[%get3A_503, %get3A_504] {strides = array<i32>} : memref<64x768xf32, #tpu.memory_space<vmem>>, vector<1x16xf32>,
        %get3A_506 = vector.shape_cast %get3A_505 : vector<1x16xf32> to vector<16xf32>
        %mul3A_507 = arith.constant 27.7128124 : f32
        %mul3A_508 = vector.broadcast %mul3A_507 : f32 to vector<16xf32>
        %mul3A_509 = arith.mulf %get3A_506, %mul3A_508 : vector<16xf32>
        %swap3A_510 = arith.index_cast %add3A_120 : i32 to index
        %swap3A_511 = arith.constant 512 : index
        %swap3A_512 = tpu.vector_load %arg7[%swap3A_510, %swap3A_511] {strides = array<i32>} : memref<64x768xf32, #tpu.memory_space<vmem>>, vector<1x16xf32>,
        %swap3A_513 = vector.shape_cast %swap3A_512 : vector<1x16xf32> to vector<16xf32>
        %swap3A_514 = vector.shape_cast %mul3A_509 : vector<16xf32> to vector<1x16xf32>
        tpu.vector_store %arg7[%swap3A_510, %swap3A_511], %swap3A_514 {strides = array<i32>} : memref<64x768xf32, #tpu.memory_space<vmem>>, vector<1x16xf32>,
        %get3A_515 = arith.index_cast %add3A_120 : i32 to index
        %get3A_516 = arith.constant 528 : index
        %get3A_517 = tpu.vector_load %arg7[%get3A_515, %get3A_516] {strides = array<i32>} : memref<64x768xf32, #tpu.memory_space<vmem>>, vector<1x16xf32>,
        %get3A_518 = vector.shape_cast %get3A_517 : vector<1x16xf32> to vector<16xf32>
        %mul3A_519 = arith.constant 27.7128124 : f32
        %mul3A_520 = vector.broadcast %mul3A_519 : f32 to vector<16xf32>
        %mul3A_521 = arith.mulf %get3A_518, %mul3A_520 : vector<16xf32>
        %swap3A_522 = arith.index_cast %add3A_120 : i32 to index
        %swap3A_523 = arith.constant 528 : index
        %swap3A_524 = tpu.vector_load %arg7[%swap3A_522, %swap3A_523] {strides = array<i32>} : memref<64x768xf32, #tpu.memory_space<vmem>>, vector<1x16xf32>,
        %swap3A_525 = vector.shape_cast %swap3A_524 : vector<1x16xf32> to vector<16xf32>
        %swap3A_526 = vector.shape_cast %mul3A_521 : vector<16xf32> to vector<1x16xf32>
        tpu.vector_store %arg7[%swap3A_522, %swap3A_523], %swap3A_526 {strides = array<i32>} : memref<64x768xf32, #tpu.memory_space<vmem>>, vector<1x16xf32>,
        %get3A_527 = arith.index_cast %add3A_120 : i32 to index
        %get3A_528 = arith.constant 544 : index
        %get3A_529 = tpu.vector_load %arg7[%get3A_527, %get3A_528] {strides = array<i32>} : memref<64x768xf32, #tpu.memory_space<vmem>>, vector<1x16xf32>,
        %get3A_530 = vector.shape_cast %get3A_529 : vector<1x16xf32> to vector<16xf32>
        %mul3A_531 = arith.constant 27.7128124 : f32
        %mul3A_532 = vector.broadcast %mul3A_531 : f32 to vector<16xf32>
        %mul3A_533 = arith.mulf %get3A_530, %mul3A_532 : vector<16xf32>
        %swap3A_534 = arith.index_cast %add3A_120 : i32 to index
        %swap3A_535 = arith.constant 544 : index
        %swap3A_536 = tpu.vector_load %arg7[%swap3A_534, %swap3A_535] {strides = array<i32>} : memref<64x768xf32, #tpu.memory_space<vmem>>, vector<1x16xf32>,
        %swap3A_537 = vector.shape_cast %swap3A_536 : vector<1x16xf32> to vector<16xf32>
        %swap3A_538 = vector.shape_cast %mul3A_533 : vector<16xf32> to vector<1x16xf32>
        tpu.vector_store %arg7[%swap3A_534, %swap3A_535], %swap3A_538 {strides = array<i32>} : memref<64x768xf32, #tpu.memory_space<vmem>>, vector<1x16xf32>,
        %get3A_539 = arith.index_cast %add3A_120 : i32 to index
        %get3A_540 = arith.constant 560 : index
        %get3A_541 = tpu.vector_load %arg7[%get3A_539, %get3A_540] {strides = array<i32>} : memref<64x768xf32, #tpu.memory_space<vmem>>, vector<1x16xf32>,
        %get3A_542 = vector.shape_cast %get3A_541 : vector<1x16xf32> to vector<16xf32>
        %mul3A_543 = arith.constant 27.7128124 : f32
        %mul3A_544 = vector.broadcast %mul3A_543 : f32 to vector<16xf32>
        %mul3A_545 = arith.mulf %get3A_542, %mul3A_544 : vector<16xf32>
        %swap3A_546 = arith.index_cast %add3A_120 : i32 to index
        %swap3A_547 = arith.constant 560 : index
        %swap3A_548 = tpu.vector_load %arg7[%swap3A_546, %swap3A_547] {strides = array<i32>} : memref<64x768xf32, #tpu.memory_space<vmem>>, vector<1x16xf32>,
        %swap3A_549 = vector.shape_cast %swap3A_548 : vector<1x16xf32> to vector<16xf32>
        %swap3A_550 = vector.shape_cast %mul3A_545 : vector<16xf32> to vector<1x16xf32>
        tpu.vector_store %arg7[%swap3A_546, %swap3A_547], %swap3A_550 {strides = array<i32>} : memref<64x768xf32, #tpu.memory_space<vmem>>, vector<1x16xf32>,
        %get3A_551 = arith.index_cast %add3A_120 : i32 to index
        %get3A_552 = arith.constant 576 : index
        %get3A_553 = tpu.vector_load %arg7[%get3A_551, %get3A_552] {strides = array<i32>} : memref<64x768xf32, #tpu.memory_space<vmem>>, vector<1x16xf32>,
        %get3A_554 = vector.shape_cast %get3A_553 : vector<1x16xf32> to vector<16xf32>
        %mul3A_555 = arith.constant 27.7128124 : f32
        %mul3A_556 = vector.broadcast %mul3A_555 : f32 to vector<16xf32>
        %mul3A_557 = arith.mulf %get3A_554, %mul3A_556 : vector<16xf32>
        %swap3A_558 = arith.index_cast %add3A_120 : i32 to index
        %swap3A_559 = arith.constant 576 : index
        %swap3A_560 = tpu.vector_load %arg7[%swap3A_558, %swap3A_559] {strides = array<i32>} : memref<64x768xf32, #tpu.memory_space<vmem>>, vector<1x16xf32>,
        %swap3A_561 = vector.shape_cast %swap3A_560 : vector<1x16xf32> to vector<16xf32>
        %swap3A_562 = vector.shape_cast %mul3A_557 : vector<16xf32> to vector<1x16xf32>
        tpu.vector_store %arg7[%swap3A_558, %swap3A_559], %swap3A_562 {strides = array<i32>} : memref<64x768xf32, #tpu.memory_space<vmem>>, vector<1x16xf32>,
        %get3A_563 = arith.index_cast %add3A_120 : i32 to index
        %get3A_564 = arith.constant 592 : index
        %get3A_565 = tpu.vector_load %arg7[%get3A_563, %get3A_564] {strides = array<i32>} : memref<64x768xf32, #tpu.memory_space<vmem>>, vector<1x16xf32>,
        %get3A_566 = vector.shape_cast %get3A_565 : vector<1x16xf32> to vector<16xf32>
        %mul3A_567 = arith.constant 27.7128124 : f32
        %mul3A_568 = vector.broadcast %mul3A_567 : f32 to vector<16xf32>
        %mul3A_569 = arith.mulf %get3A_566, %mul3A_568 : vector<16xf32>
        %swap3A_570 = arith.index_cast %add3A_120 : i32 to index
        %swap3A_571 = arith.constant 592 : index
        %swap3A_572 = tpu.vector_load %arg7[%swap3A_570, %swap3A_571] {strides = array<i32>} : memref<64x768xf32, #tpu.memory_space<vmem>>, vector<1x16xf32>,
        %swap3A_573 = vector.shape_cast %swap3A_572 : vector<1x16xf32> to vector<16xf32>
        %swap3A_574 = vector.shape_cast %mul3A_569 : vector<16xf32> to vector<1x16xf32>
        tpu.vector_store %arg7[%swap3A_570, %swap3A_571], %swap3A_574 {strides = array<i32>} : memref<64x768xf32, #tpu.memory_space<vmem>>, vector<1x16xf32>,
        %get3A_575 = arith.index_cast %add3A_120 : i32 to index
        %get3A_576 = arith.constant 608 : index
        %get3A_577 = tpu.vector_load %arg7[%get3A_575, %get3A_576] {strides = array<i32>} : memref<64x768xf32, #tpu.memory_space<vmem>>, vector<1x16xf32>,
        %get3A_578 = vector.shape_cast %get3A_577 : vector<1x16xf32> to vector<16xf32>
        %mul3A_579 = arith.constant 27.7128124 : f32
        %mul3A_580 = vector.broadcast %mul3A_579 : f32 to vector<16xf32>
        %mul3A_581 = arith.mulf %get3A_578, %mul3A_580 : vector<16xf32>
        %swap3A_582 = arith.index_cast %add3A_120 : i32 to index
        %swap3A_583 = arith.constant 608 : index
        %swap3A_584 = tpu.vector_load %arg7[%swap3A_582, %swap3A_583] {strides = array<i32>} : memref<64x768xf32, #tpu.memory_space<vmem>>, vector<1x16xf32>,
        %swap3A_585 = vector.shape_cast %swap3A_584 : vector<1x16xf32> to vector<16xf32>
        %swap3A_586 = vector.shape_cast %mul3A_581 : vector<16xf32> to vector<1x16xf32>
        tpu.vector_store %arg7[%swap3A_582, %swap3A_583], %swap3A_586 {strides = array<i32>} : memref<64x768xf32, #tpu.memory_space<vmem>>, vector<1x16xf32>,
        %get3A_587 = arith.index_cast %add3A_120 : i32 to index
        %get3A_588 = arith.constant 624 : index
        %get3A_589 = tpu.vector_load %arg7[%get3A_587, %get3A_588] {strides = array<i32>} : memref<64x768xf32, #tpu.memory_space<vmem>>, vector<1x16xf32>,
        %get3A_590 = vector.shape_cast %get3A_589 : vector<1x16xf32> to vector<16xf32>
        %mul3A_591 = arith.constant 27.7128124 : f32
        %mul3A_592 = vector.broadcast %mul3A_591 : f32 to vector<16xf32>
        %mul3A_593 = arith.mulf %get3A_590, %mul3A_592 : vector<16xf32>
        %swap3A_594 = arith.index_cast %add3A_120 : i32 to index
        %swap3A_595 = arith.constant 624 : index
        %swap3A_596 = tpu.vector_load %arg7[%swap3A_594, %swap3A_595] {strides = array<i32>} : memref<64x768xf32, #tpu.memory_space<vmem>>, vector<1x16xf32>,
        %swap3A_597 = vector.shape_cast %swap3A_596 : vector<1x16xf32> to vector<16xf32>
        %swap3A_598 = vector.shape_cast %mul3A_593 : vector<16xf32> to vector<1x16xf32>
        tpu.vector_store %arg7[%swap3A_594, %swap3A_595], %swap3A_598 {strides = array<i32>} : memref<64x768xf32, #tpu.memory_space<vmem>>, vector<1x16xf32>,
        %get3A_599 = arith.index_cast %add3A_120 : i32 to index
        %get3A_600 = arith.constant 640 : index
        %get3A_601 = tpu.vector_load %arg7[%get3A_599, %get3A_600] {strides = array<i32>} : memref<64x768xf32, #tpu.memory_space<vmem>>, vector<1x16xf32>,
        %get3A_602 = vector.shape_cast %get3A_601 : vector<1x16xf32> to vector<16xf32>
        %mul3A_603 = arith.constant 27.7128124 : f32
        %mul3A_604 = vector.broadcast %mul3A_603 : f32 to vector<16xf32>
        %mul3A_605 = arith.mulf %get3A_602, %mul3A_604 : vector<16xf32>
        %swap3A_606 = arith.index_cast %add3A_120 : i32 to index
        %swap3A_607 = arith.constant 640 : index
        %swap3A_608 = tpu.vector_load %arg7[%swap3A_606, %swap3A_607] {strides = array<i32>} : memref<64x768xf32, #tpu.memory_space<vmem>>, vector<1x16xf32>,
        %swap3A_609 = vector.shape_cast %swap3A_608 : vector<1x16xf32> to vector<16xf32>
        %swap3A_610 = vector.shape_cast %mul3A_605 : vector<16xf32> to vector<1x16xf32>
        tpu.vector_store %arg7[%swap3A_606, %swap3A_607], %swap3A_610 {strides = array<i32>} : memref<64x768xf32, #tpu.memory_space<vmem>>, vector<1x16xf32>,
        %get3A_611 = arith.index_cast %add3A_120 : i32 to index
        %get3A_612 = arith.constant 656 : index
        %get3A_613 = tpu.vector_load %arg7[%get3A_611, %get3A_612] {strides = array<i32>} : memref<64x768xf32, #tpu.memory_space<vmem>>, vector<1x16xf32>,
        %get3A_614 = vector.shape_cast %get3A_613 : vector<1x16xf32> to vector<16xf32>
        %mul3A_615 = arith.constant 27.7128124 : f32
        %mul3A_616 = vector.broadcast %mul3A_615 : f32 to vector<16xf32>
        %mul3A_617 = arith.mulf %get3A_614, %mul3A_616 : vector<16xf32>
        %swap3A_618 = arith.index_cast %add3A_120 : i32 to index
        %swap3A_619 = arith.constant 656 : index
        %swap3A_620 = tpu.vector_load %arg7[%swap3A_618, %swap3A_619] {strides = array<i32>} : memref<64x768xf32, #tpu.memory_space<vmem>>, vector<1x16xf32>,
        %swap3A_621 = vector.shape_cast %swap3A_620 : vector<1x16xf32> to vector<16xf32>
        %swap3A_622 = vector.shape_cast %mul3A_617 : vector<16xf32> to vector<1x16xf32>
        tpu.vector_store %arg7[%swap3A_618, %swap3A_619], %swap3A_622 {strides = array<i32>} : memref<64x768xf32, #tpu.memory_space<vmem>>, vector<1x16xf32>,
        %get3A_623 = arith.index_cast %add3A_120 : i32 to index
        %get3A_624 = arith.constant 672 : index
        %get3A_625 = tpu.vector_load %arg7[%get3A_623, %get3A_624] {strides = array<i32>} : memref<64x768xf32, #tpu.memory_space<vmem>>, vector<1x16xf32>,
        %get3A_626 = vector.shape_cast %get3A_625 : vector<1x16xf32> to vector<16xf32>
        %mul3A_627 = arith.constant 27.7128124 : f32
        %mul3A_628 = vector.broadcast %mul3A_627 : f32 to vector<16xf32>
        %mul3A_629 = arith.mulf %get3A_626, %mul3A_628 : vector<16xf32>
        %swap3A_630 = arith.index_cast %add3A_120 : i32 to index
        %swap3A_631 = arith.constant 672 : index
        %swap3A_632 = tpu.vector_load %arg7[%swap3A_630, %swap3A_631] {strides = array<i32>} : memref<64x768xf32, #tpu.memory_space<vmem>>, vector<1x16xf32>,
        %swap3A_633 = vector.shape_cast %swap3A_632 : vector<1x16xf32> to vector<16xf32>
        %swap3A_634 = vector.shape_cast %mul3A_629 : vector<16xf32> to vector<1x16xf32>
        tpu.vector_store %arg7[%swap3A_630, %swap3A_631], %swap3A_634 {strides = array<i32>} : memref<64x768xf32, #tpu.memory_space<vmem>>, vector<1x16xf32>,
        %get3A_635 = arith.index_cast %add3A_120 : i32 to index
        %get3A_636 = arith.constant 688 : index
        %get3A_637 = tpu.vector_load %arg7[%get3A_635, %get3A_636] {strides = array<i32>} : memref<64x768xf32, #tpu.memory_space<vmem>>, vector<1x16xf32>,
        %get3A_638 = vector.shape_cast %get3A_637 : vector<1x16xf32> to vector<16xf32>
        %mul3A_639 = arith.constant 27.7128124 : f32
        %mul3A_640 = vector.broadcast %mul3A_639 : f32 to vector<16xf32>
        %mul3A_641 = arith.mulf %get3A_638, %mul3A_640 : vector<16xf32>
        %swap3A_642 = arith.index_cast %add3A_120 : i32 to index
        %swap3A_643 = arith.constant 688 : index
        %swap3A_644 = tpu.vector_load %arg7[%swap3A_642, %swap3A_643] {strides = array<i32>} : memref<64x768xf32, #tpu.memory_space<vmem>>, vector<1x16xf32>,
        %swap3A_645 = vector.shape_cast %swap3A_644 : vector<1x16xf32> to vector<16xf32>
        %swap3A_646 = vector.shape_cast %mul3A_641 : vector<16xf32> to vector<1x16xf32>
        tpu.vector_store %arg7[%swap3A_642, %swap3A_643], %swap3A_646 {strides = array<i32>} : memref<64x768xf32, #tpu.memory_space<vmem>>, vector<1x16xf32>,
        %get3A_647 = arith.index_cast %add3A_120 : i32 to index
        %get3A_648 = arith.constant 704 : index
        %get3A_649 = tpu.vector_load %arg7[%get3A_647, %get3A_648] {strides = array<i32>} : memref<64x768xf32, #tpu.memory_space<vmem>>, vector<1x16xf32>,
        %get3A_650 = vector.shape_cast %get3A_649 : vector<1x16xf32> to vector<16xf32>
        %mul3A_651 = arith.constant 27.7128124 : f32
        %mul3A_652 = vector.broadcast %mul3A_651 : f32 to vector<16xf32>
        %mul3A_653 = arith.mulf %get3A_650, %mul3A_652 : vector<16xf32>
        %swap3A_654 = arith.index_cast %add3A_120 : i32 to index
        %swap3A_655 = arith.constant 704 : index
        %swap3A_656 = tpu.vector_load %arg7[%swap3A_654, %swap3A_655] {strides = array<i32>} : memref<64x768xf32, #tpu.memory_space<vmem>>, vector<1x16xf32>,
        %swap3A_657 = vector.shape_cast %swap3A_656 : vector<1x16xf32> to vector<16xf32>
        %swap3A_658 = vector.shape_cast %mul3A_653 : vector<16xf32> to vector<1x16xf32>
        tpu.vector_store %arg7[%swap3A_654, %swap3A_655], %swap3A_658 {strides = array<i32>} : memref<64x768xf32, #tpu.memory_space<vmem>>, vector<1x16xf32>,
        %get3A_659 = arith.index_cast %add3A_120 : i32 to index
        %get3A_660 = arith.constant 720 : index
        %get3A_661 = tpu.vector_load %arg7[%get3A_659, %get3A_660] {strides = array<i32>} : memref<64x768xf32, #tpu.memory_space<vmem>>, vector<1x16xf32>,
        %get3A_662 = vector.shape_cast %get3A_661 : vector<1x16xf32> to vector<16xf32>
        %mul3A_663 = arith.constant 27.7128124 : f32
        %mul3A_664 = vector.broadcast %mul3A_663 : f32 to vector<16xf32>
        %mul3A_665 = arith.mulf %get3A_662, %mul3A_664 : vector<16xf32>
        %swap3A_666 = arith.index_cast %add3A_120 : i32 to index
        %swap3A_667 = arith.constant 720 : index
        %swap3A_668 = tpu.vector_load %arg7[%swap3A_666, %swap3A_667] {strides = array<i32>} : memref<64x768xf32, #tpu.memory_space<vmem>>, vector<1x16xf32>,
        %swap3A_669 = vector.shape_cast %swap3A_668 : vector<1x16xf32> to vector<16xf32>
        %swap3A_670 = vector.shape_cast %mul3A_665 : vector<16xf32> to vector<1x16xf32>
        tpu.vector_store %arg7[%swap3A_666, %swap3A_667], %swap3A_670 {strides = array<i32>} : memref<64x768xf32, #tpu.memory_space<vmem>>, vector<1x16xf32>,
        %get3A_671 = arith.index_cast %add3A_120 : i32 to index
        %get3A_672 = arith.constant 736 : index
        %get3A_673 = tpu.vector_load %arg7[%get3A_671, %get3A_672] {strides = array<i32>} : memref<64x768xf32, #tpu.memory_space<vmem>>, vector<1x16xf32>,
        %get3A_674 = vector.shape_cast %get3A_673 : vector<1x16xf32> to vector<16xf32>
        %mul3A_675 = arith.constant 27.7128124 : f32
        %mul3A_676 = vector.broadcast %mul3A_675 : f32 to vector<16xf32>
        %mul3A_677 = arith.mulf %get3A_674, %mul3A_676 : vector<16xf32>
        %swap3A_678 = arith.index_cast %add3A_120 : i32 to index
        %swap3A_679 = arith.constant 736 : index
        %swap3A_680 = tpu.vector_load %arg7[%swap3A_678, %swap3A_679] {strides = array<i32>} : memref<64x768xf32, #tpu.memory_space<vmem>>, vector<1x16xf32>,
        %swap3A_681 = vector.shape_cast %swap3A_680 : vector<1x16xf32> to vector<16xf32>
        %swap3A_682 = vector.shape_cast %mul3A_677 : vector<16xf32> to vector<1x16xf32>
        tpu.vector_store %arg7[%swap3A_678, %swap3A_679], %swap3A_682 {strides = array<i32>} : memref<64x768xf32, #tpu.memory_space<vmem>>, vector<1x16xf32>,
        %get3A_683 = arith.index_cast %add3A_120 : i32 to index
        %get3A_684 = arith.constant 752 : index
        %get3A_685 = tpu.vector_load %arg7[%get3A_683, %get3A_684] {strides = array<i32>} : memref<64x768xf32, #tpu.memory_space<vmem>>, vector<1x16xf32>,
        %get3A_686 = vector.shape_cast %get3A_685 : vector<1x16xf32> to vector<16xf32>
        %mul3A_687 = arith.constant 27.7128124 : f32
        %mul3A_688 = vector.broadcast %mul3A_687 : f32 to vector<16xf32>
        %mul3A_689 = arith.mulf %get3A_686, %mul3A_688 : vector<16xf32>
        %swap3A_690 = arith.index_cast %add3A_120 : i32 to index
        %swap3A_691 = arith.constant 752 : index
        %swap3A_692 = tpu.vector_load %arg7[%swap3A_690, %swap3A_691] {strides = array<i32>} : memref<64x768xf32, #tpu.memory_space<vmem>>, vector<1x16xf32>,
        %swap3A_693 = vector.shape_cast %swap3A_692 : vector<1x16xf32> to vector<16xf32>
        %swap3A_694 = vector.shape_cast %mul3A_689 : vector<16xf32> to vector<1x16xf32>
        tpu.vector_store %arg7[%swap3A_690, %swap3A_691], %swap3A_694 {strides = array<i32>} : memref<64x768xf32, #tpu.memory_space<vmem>>, vector<1x16xf32>,
      }
      %scan3A_105 = arith.constant 64 : i32
      %mul3A_106 = arith.constant 64 : i32
      %mul3A_107 = arith.muli %add3A_95, %mul3A_106 : i32
      %add3A_108 = arith.addi %mul3A_2, %mul3A_107 : i32
      "tpu.region"() ({
        %run_scoped3A = tpu.sem_alloc : memref<!tpu.dma_semaphore, #tpu.memory_space<semaphore_mem>>
        %dma_start3A_116 = arith.constant 0 : i32
        %dma_start3A_117 = tpu.memref_slice %arg4[%add3A_108, %dma_start3A_116] : memref<16384x768xf32, #tpu.memory_space<hbm>> -> memref<64x768xf32, #tpu.memory_space<hbm>>
        %dma_start3A_118 = arith.constant 0 : i32
        %dma_start3A_119 = tpu.memref_slice %arg4[%add3A_108, %dma_start3A_118] : memref<16384x768xf32, #tpu.memory_space<hbm>> -> memref<64x768xf32, #tpu.memory_space<hbm>>
        tpu.enqueue_dma source(%arg7 : memref<64x768xf32, #tpu.memory_space<vmem>>) target(%dma_start3A_119 : memref<64x768xf32, #tpu.memory_space<hbm>>) target_semaphore(%run_scoped3A : memref<!tpu.dma_semaphore, #tpu.memory_space<semaphore_mem>>)
        %dma_wait3A_120 = arith.constant 0 : i32
        %dma_wait3A_121 = tpu.memref_slice %arg4[%add3A_108, %dma_wait3A_120] : memref<16384x768xf32, #tpu.memory_space<hbm>> -> memref<64x768xf32, #tpu.memory_space<hbm>>
        %dma_wait3A_122 = arith.constant 0 : i32
        %dma_wait3A_123 = tpu.memref_slice %arg4[%add3A_108, %dma_wait3A_122] : memref<16384x768xf32, #tpu.memory_space<hbm>> -> memref<64x768xf32, #tpu.memory_space<hbm>>
        tpu.wait_dma2 semaphore(%run_scoped3A : memref<!tpu.dma_semaphore, #tpu.memory_space<semaphore_mem>>) src(%arg7 : memref<64x768xf32, #tpu.memory_space<vmem>>) dst(%dma_wait3A_123 : memref<64x768xf32, #tpu.memory_space<hbm>>)
        tpu.yield
      }) : () -> ()
      %add3A_109 = arith.constant 2 : i32
      %add3A_110 = arith.addi %add3A_95, %add3A_109 : i32
      %lt3A_111 = arith.constant 8 : i32
      %lt3A_112 = arith.cmpi slt, %add3A_110, %lt3A_111 : i32
      %convert_element_type3A_113 = arith.extui %lt3A_112 : i1 to i32
      %cond3A_114 = arith.constant 0 : i32
      %cond3A_115 = arith.cmpi ne, %convert_element_type3A_113, %cond3A_114 : i32
      scf.if %cond3A_115 {
        %add3A_116 = arith.constant 2 : i32
        %add3A_117 = arith.addi %add3A_95, %add3A_116 : i32
        %mul3A_118 = arith.constant 64 : i32
        %mul3A_119 = arith.muli %add3A_117, %mul3A_118 : i32
        %add3A_120 = arith.constant 0 : i32
        %add3A_121 = arith.addi %mul3A_119, %add3A_120 : i32
        %dma_start3A_122 = arith.constant 0 : i32
        %dma_start3A_123 = arith.constant 0 : i32
        %dma_start3A_124 = tpu.memref_slice %arg7[%dma_start3A_122, %dma_start3A_123] : memref<64x768xf32, #tpu.memory_space<vmem>> -> memref<32x768xf32, #tpu.memory_space<vmem>>
        %dma_start3A_125 = tpu.memref_slice %arg5[%add3A_121] : memref<512xi32, #tpu.memory_space<vmem>> -> memref<32xi32, #tpu.memory_space<vmem>>
        %dma_start3A_126 = arith.constant 0 : i32
        %dma_start3A_127 = arith.constant 0 : i32
        %dma_start3A_128 = tpu.memref_slice %arg3[%dma_start3A_126, %dma_start3A_127] : memref<100000x768xf32, #tpu.memory_space<hbm>> -> memref<100000x768xf32, #tpu.memory_space<hbm>>
        tpu.enqueue_indirect_dma source(%dma_start3A_128 : memref<100000x768xf32, #tpu.memory_space<hbm>>) target(%dma_start3A_124 : memref<32x768xf32, #tpu.memory_space<vmem>>) offsets(%dma_start3A_125 : memref<32xi32, #tpu.memory_space<vmem>>) semaphore(%arg8 : memref<!tpu.dma_semaphore, #tpu.memory_space<semaphore_mem>>)
        %mul3A_129 = arith.constant 64 : i32
        %mul3A_130 = arith.muli %add3A_117, %mul3A_129 : i32
        %add3A_131 = arith.constant 32 : i32
        %add3A_132 = arith.addi %mul3A_130, %add3A_131 : i32
        %dma_start3A_133 = arith.constant 32 : i32
        %dma_start3A_134 = arith.constant 0 : i32
        %dma_start3A_135 = tpu.memref_slice %arg7[%dma_start3A_133, %dma_start3A_134] : memref<64x768xf32, #tpu.memory_space<vmem>> -> memref<32x768xf32, #tpu.memory_space<vmem>>
        %dma_start3A_136 = tpu.memref_slice %arg5[%add3A_132] : memref<512xi32, #tpu.memory_space<vmem>> -> memref<32xi32, #tpu.memory_space<vmem>>
        %dma_start3A_137 = arith.constant 0 : i32
        %dma_start3A_138 = arith.constant 0 : i32
        %dma_start3A_139 = tpu.memref_slice %arg3[%dma_start3A_137, %dma_start3A_138] : memref<100000x768xf32, #tpu.memory_space<hbm>> -> memref<100000x768xf32, #tpu.memory_space<hbm>>
        tpu.enqueue_indirect_dma source(%dma_start3A_139 : memref<100000x768xf32, #tpu.memory_space<hbm>>) target(%dma_start3A_135 : memref<32x768xf32, #tpu.memory_space<vmem>>) offsets(%dma_start3A_136 : memref<32xi32, #tpu.memory_space<vmem>>) semaphore(%arg8 : memref<!tpu.dma_semaphore, #tpu.memory_space<semaphore_mem>>)
      } else {
      }
    }
    %scan3A_69 = arith.constant 4 : i32
    return
  }
}

</mosaic_0001>

<sc_bundles>
// kernel: kernel.3.cloned.1.call-start
scs
__scs_entry_jumppad:
0x0: {  	(pc) =	sbr.rel $0x88, $3  }
0x1: {  	(tag) =	ssettag $0x0;
	lr =	simm.s32 $0x1  }
0x2: {  	[smem:$0x3F9F] =	sst lr;
	_ =	strace $0xD0000000  }
0x3: {  	_ = 	snop  }
0x4: {  	_ = 	snop  }
0x5: {  	_ = 	snop  }
0x6: {  	_ = 	snop  }
0x7: {  	_ = 	snop  }
__scs_overlays_trampoline_lowered:
0x8: {  	[smem:$0x3FAE] =	sst s0  }
0x9: {  	[smem:$0x3FAF] =	sst s1  }
0xa: {  	[smem:$0x3FB0] =	sst s2  }
0xb: {  	[smem:$0x3FB1] =	sst s3  }
0xc: {  	[smem:$0x3FB2] =	sst s4  }
0xd: {  	[smem:$0x3FB3] =	sst s5  }
0xe: {  	[smem:$0x3FB4] =	sst s6  }
0xf: {  	[smem:$0x3FB5] =	sst s7  }
0x10: {  	[smem:$0x3FB6] =	sst s8  }
0x11: {  	[smem:$0x3FB7] =	sst s9;
	s0 =	simm.s32 @!p0 $0x0  }
0x12: {  	s1 =	sld [smem:$0x3F9D];
	s0 =	simm.s32 @p0 $0x1  }
0x13: {  	[smem:$0x3FB8] =	sst s0;
	s0 =	simm.s32 @!p1 $0x0  }
0x14: {  	s2 =	sld [smem:$0x3F9C];
	s0 =	simm.s32 @p1 $0x1  }
0x15: {  	[smem:$0x3FB9] =	sst s0;
	s0 =	simm.s32 @!p2 $0x0  }
0x16: {  	s3 =	sld [smem:$0x3FDB];
	s0 =	simm.s32 @p2 $0x1  }
0x17: {  	s4 =	simm.s32 $0x1BF5;
	[smem:$0x3FBB] =	sst s0  }
0x18: {  	s0 =	sld [smem:$0x3F9E];
	_ =	swait.ge [sflag:s4], $0x0  }
0x19: {  	s7 =	sld [smem:$0x3F9F]  }
0x1a: {  	s8 =	sadd.s32 $0xFFFFE003, lr  }
0x1b: {  	s9 =	sadd.s32 $0xFFFFFEF7, lr;
	s5 =	simm.s32 $0xFFFFFFFF;
	p2 =	slt.u32 s8, $0xFFFFF086  }
0x1c: {  	p1 =	slt.u32 s9, $0xF7A;
	s5 =	simm.s32 @!p2 $0x0  }
0x1d: {  	s5 =	simm.s32 @p1 $0x1;
	p0 =	seq.s32 s7, s2  }
0x1e: {  	s7 =	smul.u32 @!p0 $0xF7A, s2;
	p2 =	seq.s32 @!p0 s5, $0x0  }
0x1f: {  	s9 =	smul.u32 $0xF7A, s1;
	s8 =	simm.s32 @!p0 $0x1BF5;
	p2 =	por !p2, p0  }
0x20: {  	[sflag:s8] =	ssyncset.s32 @!p0 $0xFFFFF086;
	s6 =	sadd.s32 @!p0 s3, s7;
	s7 =	simm.s32 @!p0 $0x108  }
0x21: {  	s3 =	sadd.s32 s3, s9;
	s6 =	sadd.s32 @!p0 $0x88, s6;
	s7 =	simm.s32 @p2 $0x1082  }
0x22: {  	[simem:s7], [sflag:s8] =	dma.local @!p0 [hbm:s6], $0xF7A  }
0x23: {  	s9 =	sor.u32 $0xD0000000, s2;
	s6 =	simm.s32 $0x108;
	_ =	swait.ge @!p0 [sflag:s8], $0x0  }
0x24: {  	s3 =	sadd.s32 $0x88, s3;
	s6 =	simm.s32 @!p1 $0x1082;
	[sflag:s4] =	ssyncset.s32 $0xFFFFF086  }
0x25: {  	[simem:s6], [sflag:s4] =	dma.local [hbm:s3], $0xF7A  }
0x26: {  	[smem:$0x3F9F] =	sst s1;
	(tag) =	ssettag s2;
	_ =	strace s9  }
0x27: {  	s1 =	sld [smem:$0x3FAF]  }
0x28: {  	s2 =	sld [smem:$0x3FB0]  }
0x29: {  	s4 =	sld [smem:$0x3FB2]  }
0x2a: {  	p0 =	seq.s32 s5, $0x0;
	s5 =	sld [smem:$0x3FB3]  }
0x2b: {  	s6 =	sld [smem:$0x3FB4]  }
0x2c: {  	s7 =	sld [smem:$0x3FB5]  }
0x2d: {  	s3 =	simm.s32 $0x108;
	s8 =	sld [smem:$0x3FB6]  }
0x2e: {  	s3 =	simm.s32 @!p0 $0x1082;
	s9 =	sld [smem:$0x3FB7]  }
0x2f: {  	lr =	sadd.s32 s0, s3;
	s0 =	sld [smem:$0x3FAE]  }
0x30: {  	s3 =	sld [smem:$0x3FB1]  }
0x31: {  	[smem:$0x3FBA] =	sst s10  }
0x32: {  	s10 =	sld [smem:$0x3FB8];
	_ =	sdelay $0x3  }
0x33: {  	p0 =	seq.s32 s10, $0x1;
	s10 =	sld [smem:$0x3FBA];
	_ =	sdelay $0x3  }
0x34: {  	[smem:$0x3FBA] =	sst s10  }
0x35: {  	s10 =	sld [smem:$0x3FB9];
	_ =	sdelay $0x3  }
0x36: {  	p1 =	seq.s32 s10, $0x1;
	s10 =	sld [smem:$0x3FBA];
	_ =	sdelay $0x3  }
0x37: {  	[smem:$0x3FBA] =	sst s10  }
0x38: {  	s10 =	sld [smem:$0x3FBB]  }
0x39: {  	_ = 	snop;
	(pc) =	sbr.ind lr, $3  }
0x3a: {  	_ = 	snop  }
0x3b: {  	_ = 	snop  }
0x3c: {  	p2 =	seq.s32 s10, $0x1;
	s10 =	sld [smem:$0x3FBA]  }
0x3d: {  	_ =	shalt  }
0x3e: {  	_ =	shalt  }
0x3f: {  	_ =	shalt  }
0x40: {  	_ =	shalt  }
0x41: {  	_ =	shalt  }
0x42: {  	_ =	shalt  }
0x43: {  	_ =	shalt  }
0x44: {  	_ =	shalt  }
0x45: {  	_ =	shalt  }
0x46: {  	_ =	shalt  }
0x47: {  	_ =	shalt  }
0x48: {  	_ =	shalt  }
0x49: {  	_ =	shalt  }
0x4a: {  	_ =	shalt  }
0x4b: {  	_ =	shalt  }
0x4c: {  	_ =	shalt  }
0x4d: {  	_ =	shalt  }
0x4e: {  	_ =	shalt  }
0x4f: {  	_ =	shalt  }
0x50: {  	_ =	shalt  }
0x51: {  	_ =	shalt  }
0x52: {  	_ =	shalt  }
0x53: {  	_ =	shalt  }
0x54: {  	_ =	shalt  }
0x55: {  	_ =	shalt  }
0x56: {  	_ =	shalt  }
0x57: {  	_ =	shalt  }
0x58: {  	_ =	shalt  }
0x59: {  	_ =	shalt  }
0x5a: {  	_ =	shalt  }
0x5b: {  	_ =	shalt  }
0x5c: {  	_ =	shalt  }
0x5d: {  	_ =	shalt  }
0x5e: {  	_ =	shalt  }
0x5f: {  	_ =	shalt  }
0x60: {  	_ =	shalt  }
0x61: {  	_ =	shalt  }
0x62: {  	_ =	shalt  }
0x63: {  	_ =	shalt  }
0x64: {  	_ =	shalt  }
0x65: {  	_ =	shalt  }
0x66: {  	_ =	shalt  }
0x67: {  	_ =	shalt  }
0x68: {  	_ =	shalt  }
0x69: {  	_ =	shalt  }
0x6a: {  	_ =	shalt  }
0x6b: {  	_ =	shalt  }
0x6c: {  	_ =	shalt  }
0x6d: {  	_ =	shalt  }
0x6e: {  	_ =	shalt  }
0x6f: {  	_ =	shalt  }
0x70: {  	_ =	shalt  }
0x71: {  	_ =	shalt  }
0x72: {  	_ =	shalt  }
0x73: {  	_ =	shalt  }
0x74: {  	_ =	shalt  }
0x75: {  	_ =	shalt  }
0x76: {  	_ =	shalt  }
0x77: {  	_ =	shalt  }
0x78: {  	_ =	shalt  }
0x79: {  	_ =	shalt  }
0x7a: {  	_ =	shalt  }
0x7b: {  	_ =	shalt  }
0x7c: {  	_ =	shalt  }
0x7d: {  	_ =	shalt  }
0x7e: {  	_ =	shalt  }
0x7f: {  	_ =	shalt  }
0x80: {  	_ =	shalt  }
0x81: {  	_ =	shalt  }
0x82: {  	_ =	shalt  }
0x83: {  	_ =	shalt  }
0x84: {  	_ =	shalt  }
0x85: {  	_ =	shalt  }
0x86: {  	_ =	shalt  }
0x87: {  	_ =	shalt  }
.Lfunc_end0:
.L_simem_size_0:
called_computation_lowered:
.L_overlay_start_0:
0x88: {  	s2 =	sld [smem:$0x3FD9]  }
0x89: {  	s3 =	sld [smem:$0x3FFE];
	_ =	sdelay $0x1  }
0x8a: {  	s1 =	srdreg.scid  }
0x8b: {  	s0 =	sand.u32 $0x1, s1  }
0x8c: {  	s18 =	sshll.u32 s0, $0xA;
	s2 =	sadd.s32 s3, s2  }
0x8d: {  	s2 =	sadd.s32 s2, s18  }
0x8e: {  	[smem:$0x3FC6] =	sst s2  }
0x8f: {  	_ = 	snop  }
0x90: {  	s2 =	sld [smem:$0x3FC9]  }
0x91: {  	s19 =	sld [smem:$0x3FC8]  }
0x92: {  	s4 =	sld [smem:$0x3FD0];
	(tm) =	ssettm $0x1  }
0x93: {  	s5 =	sld [smem:$0x3FFB];
	_ =	sdelay $0x3  }
0x94: {  	_ =	strace s5  }
0x95: {  	s5 =	sld [smem:$0x3FFC];
	_ =	sdelay $0x3  }
0x96: {  	_ =	strace s5  }
0x97: {  	s5 =	sld [smem:$0x3FFD];
	_ =	sdelay $0x3  }
0x98: {  	_ =	strace s5  }
0x99: {  	_ =	strace $0x8FFFFFFF  }
0x9a: {  	s20 =	sld [smem:$0x3FDB];
	_ =	sdelay $0x1  }
0x9b: {  	s6 =	simm.s32 $_scs_section_size  }
0x9c: {  	s7 =	simm.s32 $_size__tile_overlayer_lowered;
	s8 =	simm.s32 $_tile_overlayer_lowered  }
0x9d: {  	s23 =	simm.s32 $0x1BFF;
	s22 =	sshll.u32 s8, $0x1;
	s5 =	sadd.s32 s6, s20  }
0x9e: {  	s9 =	simm.s32 $0x0;
	s21 =	sshll.u32 s7, $0x1;
	s7 =	sadd.s32 s22, s5  }
0x9f: {  	[timem:s9], [sflag:s23] =	dma.local [hbm:s7], s21  }
0xa0: {  	_ =	swait.ge [sflag:s23], s21  }
0xa1: {  	s6 =	ssub.s32 $0x0, s21;
	[sflag:s23] =	ssyncset.done $0x0  }
0xa2: {  	[sflag:s23] =	ssyncadd.s32 s6;
	_ =	sdelay $0x1  }
0xa3: {  	s24 =	simm.s32 $0x1B8B  }
0xa4: {  	_ =	swait.ge [sflag:s24], $0x1  }
0xa5: {  	[sflag:s24] =	ssyncset.done $0x0  }
0xa6: {  	s25 =	simm.s32 $0x1B8E;
	[sflag:s24] =	ssyncadd.s32 $0xFFFFFFFF  }
0xa7: {  	s26 =	simm.s32 $execute0_lowered;
	[smem:$0x3FD2] =	sst s25  }
0xa8: {  	s6 =	sshll.u32 s26, $0x1;
	_ =	strace $0x80000046;
	[dreg:$0x1] =	wrdreg $0xFFFFFFFF  }
0xa9: {  	s28 =	simm.s32 $_size_execute0_lowered;
	s5 =	sadd.s32 s5, s6;
	[dreg:$0x0] =	wrdreg $0x0  }
0xaa: {  	s6 =	sshll.u32 s28, $0x1;
	[dreg:$0x2] =	wrdreg s5  }
0xab: {  	[dreg:$0x3] =	wrdreg s6  }
0xac: {  	[dreg:$0x4] =	wrdreg $0xC0  }
0xad: {  	_ =	task [dreg:s9], $0x5FFFF  }
0xae: {  	[dreg:$0x1] =	wrdreg $0xFFFFFFFF  }
0xaf: {  	[dreg:$0x0] =	wrdreg $0x60  }
0xb0: {  	[dreg:$0x2] =	wrdreg s2  }
0xb1: {  	[dreg:$0x3] =	wrdreg s19  }
0xb2: {  	[dreg:$0x4] =	wrdreg s4  }
0xb3: {  	[dreg:$0x5] =	wrdreg $0x9  }
0xb4: {  	_ =	task.clear_ibuf [dreg:s9], $0x6FFFF;
	_ =	strace $0x90000046  }
0xb5: {  	s29 =	simm.s32 $0x9;
	_ =	strace $0x80000048  }
0xb6: {  	_ =	swait.ge [sflag:s29], $0x1  }
0xb7: {  	[sflag:s29] =	ssyncadd.s32 $0xFFFFFFFF  }
0xb8: {  	_ =	strace $0x90000048  }
0xb9: {  	_ =	sfence  }
0xba: {  	s30 =	sld [smem:$0x0];
	_ =	sdelay $0x2  }
0xbb: {  	s31 =	sshll.u32 s1, $0xD;
	s1 =	sshrl.u32 s1, $0x2  }
0xbc: {  	s3 =	sand.u32 $0x4000, s31;
	s1 =	sadd.s32 s1, s30  }
0xbd: {  	s0 =	sor.u32 s3, s0;
	s1 =	sshll.u32 s1, $0x11  }
0xbe: {  	s0 =	sor.u32 s1, s0  }
0xbf: {  	s0 =	sadd.s32 $0x8F2B, s0  }
0xc0: {  	[sflag:s0] =	ssyncadd.remote.s32 $0x1  }
0xc1: {  	_ =	sfence.sel $0xFFFF  }
0xc2: {  	[dreg:$0x0] =	wrdreg $0xFFFFFFFF;
	(pc) =	sbr.abs _section_cstart, $3  }
0xc3: {  	[dreg:$0x1] =	wrdreg $0xFFFFFFFF  }
0xc4: {  	_ =	task.clear_ibuf [dreg:s9], $0x2FFFF;
	_ =	strace $0x9FFFFFFF  }
0xc5: {  	(tm) =	ssettm $0x7FFFFFFF  }
tec
execute0_lowered:
.L_overlay_start_1:
0x0: {  	(tag) =	ssettag $0x1  }
0x1: {  	s0 =	rddreg [dreg:$0x0]  }
0x2: {  	s1 =	rddreg [dreg:$0x1]  }
0x3: {  	s9 =	rddreg [dreg:$0x2];
	s4 =	simm.s32 $0x0  }
0x4: {  	s2 =	srdreg.scid;
	s7 =	stileid.u32;
	s12 =	simm.s32 $0x200  }
0x5: {  	s13 =	simm.s32 $0x2;
	s15 =	simm.s32 $0xC200;
	s28 =	simm.s32 $0x12200  }
0x6: {  	s29 =	simm.s32 $0x12A00;
	s30 =	simm.s32 $0x13200;
	s31 =	simm.s32 $0x13A00  }
0x7: {  	s11 =	simm.s32 $0x15200;
	s14 =	simm.s32 $0x16A00;
	s16 =	simm.s32 $0x17A00  }
0x8: {  	s17 =	simm.s32 $0x1;
	s19 =	simm.s32 $0x0;
	[smem:$0x7FF] =	sst s4  }
0x9: {  	s2 =	sand.u32 $0x1, s2;
	s5 =	sshll.u32 s7, $0x1;
	s23 =	sshll.u32 s7, $0x2  }
0xa: {  	s8 =	sadd.s32 $0x200, s1;
	s10 =	sadd.s32 $0x1800, s9;
	s9 =	simm.s32 $0x16200  }
0xb: {  	_ =	strace $0x80000047;
	s3 =	ssub.s32 $0x2, s2;
	s2 =	sor.u32 s2, s5  }
0xc: {  	s7 =	sand.u32 $0x30, s23;
	s6 =	sshrl.u32 s3, $0x1;
	s24 =	sshll.u32 s2, $0x8  }
.Ltmp0:
0xd: {  	s5 =	sshll.u32 s2, $0x9;
	s0 =	sadd.s32 s0, s7;
	(pc) =	sbr.rel .LBB2_1-.Ltmp0, $4  }
0xe: {  	s7 =	sadd.s32 $0x100, s1;
	s2 =	simm.s32 $0x17200;
	s25 =	sand.u32 $0x700, s24  }
0xf: {  	v2 =	vlaneseq.u32;
	s3 =	ssub.s32 s3, s6;
	s6 =	simm.s32 $0x15A00;
	s0 =	sadd.s32 s25, s0  }
0x10: {  	vm0 =	vmmov $0xffff;
	v1 =	vshrl.u32 v2, $0x3;
	s26 =	smax.u32 s3, $0x1;
	s3 =	simm.s32 $0x14A00;
	[dreg:$0x4] =	wrdreg s0  }
0x11: {  	v0 =	vand.u32 $0x7, v2;
	v2 =	vor.u32 $0x8, v2;
	v1 =	vmul.u32 $0x8, v1;
	[dreg:$0x5] =	wrdreg s26;
	s26 =	simm.s32 $0x11A00;
	s0 =	simm.s32 $0x14200  }
.LBB2_10:
0x12: {  	s19 =	rddreg [dreg:$0x6]  }
0x13: {  	s18 =	rddreg [dreg:$0x5];
	s19 =	sadd.s32 $0x1, s19  }
0x14: {  	p0 =	sne.s32 s19, s18  }
.Ltmp1:
0x15: {  	_ = 	snop;
	(pc) =	sbr.rel @!p0 .LBB2_11-.Ltmp1, $1  }
0x16: {  	_ =	sdelay $0x3  }
.LBB2_1:
0x17: {  	[dreg:$0x6] =	wrdreg s19  }
0x18: {  	s18 =	rddreg [dreg:$0x4];
	s20 =	simm.s32 $0x80  }
0x19: {  	[tilespmem:s4], [sflag:$0x2] =	stream.strided.gather [hbm4b:s18+s20], $0x200, s12, s20, $0x38;
	[tilespmem:$0x18200] =	vst v63  }
0x1a: {  	_ =	swait.ge [sflag:s13], $0x200  }
0x1b: {  	[sflag:s13] =	ssyncset.done $0x0  }
0x1c: {  	[sflag:s13] =	ssyncadd.s32 $0xFFFFFE00  }
0x1d: {  	v3 =	vld [tilespmem:$0x0];
	_ =	sdelay $0x4  }
0x1e: {  	v4 =	vshrl.u32 v3, $0x3  }
0x1f: {  	v4 =	vmul.u32 $0x30, v4  }
0x20: {  	v3 =	vand.u32 $0x7, v3  }
0x21: {  	v3 =	vor.u32 v3, v4  }
0x22: {  	v4 =	vperm.xlane v3, v0;
	_ =	sdelay $0x1  }
0x23: {  	v4 =	vadd.s32 v1, v4;
	_ =	sdelay $0x3  }
0x24: {  	v3 =	vperm.xlane v3, v2  }
0x25: {  	[tilespmem:s12], [sflag:$0x1] =	stream.indirect_vreg.gather [hbm4b:s1+s4], $0x80, v4, vm0, $0xb8;
	[tilespmem:$0x18200] =	vst v63  }
0x26: {  	s21 =	simm.s32 $0xA00;
	v3 =	vadd.s32 v1, v3  }
0x27: {  	[tilespmem:s21], [sflag:$0x1] =	stream.indirect_vreg.gather [hbm4b:s7+s4], $0x80, v4, vm0, $0xb8;
	[tilespmem:$0x18200] =	vst v63  }
0x28: {  	s22 =	simm.s32 $0x1200  }
0x29: {  	[tilespmem:s22], [sflag:$0x1] =	stream.indirect_vreg.gather [hbm4b:s8+s4], $0x80, v4, vm0, $0xb8;
	[tilespmem:$0x18200] =	vst v63  }
0x2a: {  	s23 =	simm.s32 $0x1A00  }
0x2b: {  	[tilespmem:s23], [sflag:$0x1] =	stream.indirect_vreg.gather [hbm4b:s1+s4], $0x80, v3, vm0, $0xb8;
	[tilespmem:$0x18200] =	vst v63  }
0x2c: {  	s24 =	simm.s32 $0x2200  }
0x2d: {  	[tilespmem:s24], [sflag:$0x1] =	stream.indirect_vreg.gather [hbm4b:s7+s4], $0x80, v3, vm0, $0xb8;
	[tilespmem:$0x18200] =	vst v63  }
0x2e: {  	s25 =	simm.s32 $0x2A00  }
0x2f: {  	[tilespmem:s25], [sflag:$0x1] =	stream.indirect_vreg.gather [hbm4b:s8+s4], $0x80, v3, vm0, $0xb8;
	[tilespmem:$0x18200] =	vst v63  }
0x30: {  	v3 =	vld [tilespmem:$0x10];
	_ =	sdelay $0x4  }
0x31: {  	v57 =	vshrl.u32 v3, $0x3  }
0x32: {  	v4 =	vmul.u32 $0x30, v57  }
0x33: {  	v3 =	vand.u32 $0x7, v3  }
0x34: {  	v3 =	vor.u32 v3, v4  }
0x35: {  	v4 =	vperm.xlane v3, v0;
	_ =	sdelay $0x1  }
0x36: {  	v4 =	vadd.s32 v1, v4;
	_ =	sdelay $0x3  }
0x37: {  	s19 =	simm.s32 $0x3200;
	v3 =	vperm.xlane v3, v2  }
0x38: {  	[tilespmem:s19], [sflag:$0x1] =	stream.indirect_vreg.gather [hbm4b:s1+s4], $0x80, v4, vm0, $0xb8;
	[tilespmem:$0x18200] =	vst v63  }
0x39: {  	s20 =	simm.s32 $0x3A00;
	v3 =	vadd.s32 v1, v3  }
0x3a: {  	[tilespmem:s20], [sflag:$0x1] =	stream.indirect_vreg.gather [hbm4b:s7+s4], $0x80, v4, vm0, $0xb8;
	[tilespmem:$0x18200] =	vst v63  }
0x3b: {  	s21 =	simm.s32 $0x4200  }
0x3c: {  	[tilespmem:s21], [sflag:$0x1] =	stream.indirect_vreg.gather [hbm4b:s8+s4], $0x80, v4, vm0, $0xb8;
	[tilespmem:$0x18200] =	vst v63  }
0x3d: {  	s22 =	simm.s32 $0x4A00  }
0x3e: {  	[tilespmem:s22], [sflag:$0x1] =	stream.indirect_vreg.gather [hbm4b:s1+s4], $0x80, v3, vm0, $0xb8;
	[tilespmem:$0x18200] =	vst v63  }
0x3f: {  	s23 =	simm.s32 $0x5200  }
0x40: {  	[tilespmem:s23], [sflag:$0x1] =	stream.indirect_vreg.gather [hbm4b:s7+s4], $0x80, v3, vm0, $0xb8;
	[tilespmem:$0x18200] =	vst v63  }
0x41: {  	s24 =	simm.s32 $0x5A00  }
0x42: {  	[tilespmem:s24], [sflag:$0x1] =	stream.indirect_vreg.gather [hbm4b:s8+s4], $0x80, v3, vm0, $0xb8;
	[tilespmem:$0x18200] =	vst v63  }
0x43: {  	v3 =	vld [tilespmem:$0x20];
	_ =	sdelay $0x4  }
0x44: {  	v58 =	vshrl.u32 v3, $0x3  }
0x45: {  	v4 =	vmul.u32 $0x30, v58  }
0x46: {  	v3 =	vand.u32 $0x7, v3  }
0x47: {  	v3 =	vor.u32 v3, v4  }
0x48: {  	v4 =	vperm.xlane v3, v0;
	_ =	sdelay $0x1  }
0x49: {  	v4 =	vadd.s32 v1, v4;
	_ =	sdelay $0x3  }
0x4a: {  	s25 =	simm.s32 $0x6200;
	v3 =	vperm.xlane v3, v2  }
0x4b: {  	[tilespmem:s25], [sflag:$0x1] =	stream.indirect_vreg.gather [hbm4b:s1+s4], $0x80, v4, vm0, $0xb8;
	[tilespmem:$0x18200] =	vst v63  }
0x4c: {  	s19 =	simm.s32 $0x6A00;
	v3 =	vadd.s32 v1, v3  }
0x4d: {  	[tilespmem:s19], [sflag:$0x1] =	stream.indirect_vreg.gather [hbm4b:s7+s4], $0x80, v4, vm0, $0xb8;
	[tilespmem:$0x18200] =	vst v63  }
0x4e: {  	s20 =	simm.s32 $0x7200  }
0x4f: {  	[tilespmem:s20], [sflag:$0x1] =	stream.indirect_vreg.gather [hbm4b:s8+s4], $0x80, v4, vm0, $0xb8;
	[tilespmem:$0x18200] =	vst v63  }
0x50: {  	s21 =	simm.s32 $0x7A00  }
0x51: {  	[tilespmem:s21], [sflag:$0x1] =	stream.indirect_vreg.gather [hbm4b:s1+s4], $0x80, v3, vm0, $0xb8;
	[tilespmem:$0x18200] =	vst v63  }
0x52: {  	s22 =	simm.s32 $0x8200  }
0x53: {  	[tilespmem:s22], [sflag:$0x1] =	stream.indirect_vreg.gather [hbm4b:s7+s4], $0x80, v3, vm0, $0xb8;
	[tilespmem:$0x18200] =	vst v63  }
0x54: {  	s23 =	simm.s32 $0x8A00  }
0x55: {  	[tilespmem:s23], [sflag:$0x1] =	stream.indirect_vreg.gather [hbm4b:s8+s4], $0x80, v3, vm0, $0xb8;
	[tilespmem:$0x18200] =	vst v63  }
0x56: {  	v3 =	vld [tilespmem:$0x30];
	_ =	sdelay $0x4  }
0x57: {  	v59 =	vshrl.u32 v3, $0x3  }
0x58: {  	v4 =	vmul.u32 $0x30, v59  }
0x59: {  	v3 =	vand.u32 $0x7, v3  }
0x5a: {  	v3 =	vor.u32 v3, v4  }
0x5b: {  	v4 =	vperm.xlane v3, v0;
	_ =	sdelay $0x1  }
0x5c: {  	v4 =	vadd.s32 v1, v4;
	_ =	sdelay $0x3  }
0x5d: {  	s24 =	simm.s32 $0x9200;
	v3 =	vperm.xlane v3, v2  }
0x5e: {  	[tilespmem:s24], [sflag:$0x1] =	stream.indirect_vreg.gather [hbm4b:s1+s4], $0x80, v4, vm0, $0xb8;
	[tilespmem:$0x18200] =	vst v63  }
0x5f: {  	s25 =	simm.s32 $0x9A00;
	v3 =	vadd.s32 v1, v3  }
0x60: {  	[tilespmem:s25], [sflag:$0x1] =	stream.indirect_vreg.gather [hbm4b:s7+s4], $0x80, v4, vm0, $0xb8;
	[tilespmem:$0x18200] =	vst v63  }
0x61: {  	s19 =	simm.s32 $0xA200  }
0x62: {  	[tilespmem:s19], [sflag:$0x1] =	stream.indirect_vreg.gather [hbm4b:s8+s4], $0x80, v4, vm0, $0xb8;
	[tilespmem:$0x18200] =	vst v63  }
0x63: {  	s20 =	simm.s32 $0xAA00  }
0x64: {  	[tilespmem:s20], [sflag:$0x1] =	stream.indirect_vreg.gather [hbm4b:s1+s4], $0x80, v3, vm0, $0xb8;
	[tilespmem:$0x18200] =	vst v63  }
0x65: {  	s21 =	simm.s32 $0xB200  }
0x66: {  	[tilespmem:s21], [sflag:$0x1] =	stream.indirect_vreg.gather [hbm4b:s7+s4], $0x80, v3, vm0, $0xb8;
	[tilespmem:$0x18200] =	vst v63  }
0x67: {  	s22 =	simm.s32 $0xBA00  }
0x68: {  	[tilespmem:s22], [sflag:$0x1] =	stream.indirect_vreg.gather [hbm4b:s8+s4], $0x80, v3, vm0, $0xb8;
	[tilespmem:$0x18200] =	vst v63  }
0x69: {  	v3 =	vld [tilespmem:$0x40];
	_ =	sdelay $0x4  }
0x6a: {  	v60 =	vshrl.u32 v3, $0x3  }
0x6b: {  	v4 =	vmul.u32 $0x30, v60  }
0x6c: {  	v3 =	vand.u32 $0x7, v3  }
0x6d: {  	v3 =	vor.u32 v3, v4  }
0x6e: {  	v4 =	vperm.xlane v3, v0;
	_ =	sdelay $0x1  }
0x6f: {  	v4 =	vadd.s32 v1, v4;
	_ =	sdelay $0x3  }
0x70: {  	v3 =	vperm.xlane v3, v2  }
0x71: {  	[tilespmem:s15], [sflag:$0x1] =	stream.indirect_vreg.gather [hbm4b:s1+s4], $0x80, v4, vm0, $0xb8;
	[tilespmem:$0x18200] =	vst v63  }
0x72: {  	s23 =	simm.s32 $0xCA00;
	v3 =	vadd.s32 v1, v3  }
0x73: {  	[tilespmem:s23], [sflag:$0x1] =	stream.indirect_vreg.gather [hbm4b:s7+s4], $0x80, v4, vm0, $0xb8;
	[tilespmem:$0x18200] =	vst v63  }
0x74: {  	s24 =	simm.s32 $0xD200  }
0x75: {  	[tilespmem:s24], [sflag:$0x1] =	stream.indirect_vreg.gather [hbm4b:s8+s4], $0x80, v4, vm0, $0xb8;
	[tilespmem:$0x18200] =	vst v63  }
0x76: {  	s25 =	simm.s32 $0xDA00  }
0x77: {  	[tilespmem:s25], [sflag:$0x1] =	stream.indirect_vreg.gather [hbm4b:s1+s4], $0x80, v3, vm0, $0xb8;
	[tilespmem:$0x18200] =	vst v63  }
0x78: {  	s19 =	simm.s32 $0xE200  }
0x79: {  	[tilespmem:s19], [sflag:$0x1] =	stream.indirect_vreg.gather [hbm4b:s7+s4], $0x80, v3, vm0, $0xb8;
	[tilespmem:$0x18200] =	vst v63  }
0x7a: {  	s20 =	simm.s32 $0xEA00  }
0x7b: {  	[tilespmem:s20], [sflag:$0x1] =	stream.indirect_vreg.gather [hbm4b:s8+s4], $0x80, v3, vm0, $0xb8;
	[tilespmem:$0x18200] =	vst v63  }
0x7c: {  	v3 =	vld [tilespmem:$0x50];
	_ =	sdelay $0x4  }
0x7d: {  	v61 =	vshrl.u32 v3, $0x3  }
0x7e: {  	v4 =	vmul.u32 $0x30, v61  }
0x7f: {  	v3 =	vand.u32 $0x7, v3  }
0x80: {  	v3 =	vor.u32 v3, v4  }
0x81: {  	v4 =	vperm.xlane v3, v0;
	_ =	sdelay $0x1  }
0x82: {  	v4 =	vadd.s32 v1, v4;
	_ =	sdelay $0x3  }
0x83: {  	s21 =	simm.s32 $0xF200;
	v3 =	vperm.xlane v3, v2  }
0x84: {  	[tilespmem:s21], [sflag:$0x1] =	stream.indirect_vreg.gather [hbm4b:s1+s4], $0x80, v4, vm0, $0xb8;
	[tilespmem:$0x18200] =	vst v63  }
0x85: {  	s22 =	simm.s32 $0xFA00;
	v3 =	vadd.s32 v1, v3  }
0x86: {  	[tilespmem:s22], [sflag:$0x1] =	stream.indirect_vreg.gather [hbm4b:s7+s4], $0x80, v4, vm0, $0xb8;
	[tilespmem:$0x18200] =	vst v63  }
0x87: {  	s23 =	simm.s32 $0x10200  }
0x88: {  	[tilespmem:s23], [sflag:$0x1] =	stream.indirect_vreg.gather [hbm4b:s8+s4], $0x80, v4, vm0, $0xb8;
	[tilespmem:$0x18200] =	vst v63  }
0x89: {  	s24 =	simm.s32 $0x10A00  }
0x8a: {  	[tilespmem:s24], [sflag:$0x1] =	stream.indirect_vreg.gather [hbm4b:s1+s4], $0x80, v3, vm0, $0xb8;
	[tilespmem:$0x18200] =	vst v63  }
0x8b: {  	s25 =	simm.s32 $0x11200  }
0x8c: {  	[tilespmem:s25], [sflag:$0x1] =	stream.indirect_vreg.gather [hbm4b:s7+s4], $0x80, v3, vm0, $0xb8;
	[tilespmem:$0x18200] =	vst v63  }
0x8d: {  	_ = 	snop  }
0x8e: {  	[tilespmem:s26], [sflag:$0x1] =	stream.indirect_vreg.gather [hbm4b:s8+s4], $0x80, v3, vm0, $0xb8;
	[tilespmem:$0x18200] =	vst v63  }
0x8f: {  	v3 =	vld [tilespmem:$0x60];
	_ =	sdelay $0x4  }
0x90: {  	v62 =	vshrl.u32 v3, $0x3  }
0x91: {  	v4 =	vmul.u32 $0x30, v62  }
0x92: {  	v3 =	vand.u32 $0x7, v3  }
0x93: {  	v3 =	vor.u32 v3, v4  }
0x94: {  	v4 =	vperm.xlane v3, v0;
	_ =	sdelay $0x1  }
0x95: {  	v4 =	vadd.s32 v1, v4;
	_ =	sdelay $0x3  }
0x96: {  	v3 =	vperm.xlane v3, v2  }
0x97: {  	[tilespmem:s28], [sflag:$0x1] =	stream.indirect_vreg.gather [hbm4b:s1+s4], $0x80, v4, vm0, $0xb8;
	[tilespmem:$0x18200] =	vst v63  }
0x98: {  	v3 =	vadd.s32 v1, v3  }
0x99: {  	[tilespmem:s29], [sflag:$0x1] =	stream.indirect_vreg.gather [hbm4b:s7+s4], $0x80, v4, vm0, $0xb8;
	[tilespmem:$0x18200] =	vst v63  }
0x9a: {  	_ = 	snop  }
0x9b: {  	[tilespmem:s30], [sflag:$0x1] =	stream.indirect_vreg.gather [hbm4b:s8+s4], $0x80, v4, vm0, $0xb8;
	[tilespmem:$0x18200] =	vst v63  }
0x9c: {  	_ = 	snop  }
0x9d: {  	[tilespmem:s31], [sflag:$0x1] =	stream.indirect_vreg.gather [hbm4b:s1+s4], $0x80, v3, vm0, $0xb8;
	[tilespmem:$0x18200] =	vst v63  }
0x9e: {  	_ = 	snop  }
0x9f: {  	[tilespmem:s0], [sflag:$0x1] =	stream.indirect_vreg.gather [hbm4b:s7+s4], $0x80, v3, vm0, $0xb8;
	[tilespmem:$0x18200] =	vst v63  }
0xa0: {  	_ = 	snop  }
0xa1: {  	[tilespmem:s3], [sflag:$0x1] =	stream.indirect_vreg.gather [hbm4b:s8+s4], $0x80, v3, vm0, $0xb8;
	[tilespmem:$0x18200] =	vst v63  }
0xa2: {  	v3 =	vld [tilespmem:$0x70];
	_ =	sdelay $0x4  }
0xa3: {  	v63 =	vshrl.u32 v3, $0x3  }
0xa4: {  	v4 =	vmul.u32 $0x30, v63  }
0xa5: {  	v3 =	vand.u32 $0x7, v3  }
0xa6: {  	v3 =	vor.u32 v3, v4  }
0xa7: {  	v4 =	vperm.xlane v3, v0;
	_ =	sdelay $0x1  }
0xa8: {  	v4 =	vadd.s32 v1, v4;
	_ =	sdelay $0x3  }
0xa9: {  	v3 =	vperm.xlane v3, v2  }
0xaa: {  	[tilespmem:s11], [sflag:$0x1] =	stream.indirect_vreg.gather [hbm4b:s1+s4], $0x80, v4, vm0, $0xb8;
	[tilespmem:$0x18200] =	vst v63  }
0xab: {  	v3 =	vadd.s32 v1, v3  }
0xac: {  	[tilespmem:s6], [sflag:$0x1] =	stream.indirect_vreg.gather [hbm4b:s7+s4], $0x80, v4, vm0, $0xb8;
	[tilespmem:$0x18200] =	vst v63  }
0xad: {  	_ = 	snop  }
0xae: {  	[tilespmem:s9], [sflag:$0x1] =	stream.indirect_vreg.gather [hbm4b:s8+s4], $0x80, v4, vm0, $0xb8;
	[tilespmem:$0x18200] =	vst v63  }
0xaf: {  	_ = 	snop  }
0xb0: {  	[tilespmem:s14], [sflag:$0x1] =	stream.indirect_vreg.gather [hbm4b:s1+s4], $0x80, v3, vm0, $0xb8;
	[tilespmem:$0x18200] =	vst v63  }
0xb1: {  	_ = 	snop  }
0xb2: {  	[tilespmem:s2], [sflag:$0x1] =	stream.indirect_vreg.gather [hbm4b:s7+s4], $0x80, v3, vm0, $0xb8;
	[tilespmem:$0x18200] =	vst v63  }
0xb3: {  	s18 =	simm.s32 $0x0  }
0xb4: {  	[tilespmem:s16], [sflag:$0x1] =	stream.indirect_vreg.gather [hbm4b:s8+s4], $0x80, v3, vm0, $0xb8;
	[tilespmem:$0x18200] =	vst v63  }
.LBB2_2:
0xb5: {  	s19 =	simm.s32 $0x0  }
0xb6: {  	s20 =	smul.u32 $0x6000, s19  }
0xb7: {  	_ =	swait.ge [sflag:s17], $0xC000;
	s19 =	simm.s32 $0x0  }
0xb8: {  	[sflag:s17] =	ssyncset.done $0x0;
	s21 =	sand.u32 $0x380, s19;
	s20 =	sshra.s32 s20, $0x2  }
0xb9: {  	[sflag:s17] =	ssyncadd.s32 $0xFFFF4000;
	s21 =	sor.u32 s21, s20  }
0xba: {  	v3 =	vld [tilespmem:s21+$0x200]  }
0xbb: {  	v4 =	vld [tilespmem:s21+$0x210]  }
0xbc: {  	v5 =	vld [tilespmem:s21+$0x220]  }
0xbd: {  	v6 =	vld [tilespmem:s21+$0x230]  }
0xbe: {  	v7 =	vld [tilespmem:s21+$0x240]  }
0xbf: {  	v8 =	vld [tilespmem:s21+$0x250];
	v3 =	vmul.f32 $2.771281240e+01, v3  }
0xc0: {  	v9 =	vld [tilespmem:s21+$0x260];
	v4 =	vmul.f32 $2.771281240e+01, v4  }
0xc1: {  	[tilespmem:s21+$0x200] =	vst v3;
	v3 =	vmul.f32 $2.771281240e+01, v5;
	v5 =	vld [tilespmem:s21+$0x270]  }
0xc2: {  	[tilespmem:s21+$0x210] =	vst v4;
	v4 =	vmul.f32 $2.771281240e+01, v6;
	v6 =	vld [tilespmem:s21+$0x600]  }
0xc3: {  	[tilespmem:s21+$0x220] =	vst v3;
	v3 =	vmul.f32 $2.771281240e+01, v7;
	v7 =	vld [tilespmem:s21+$0x610]  }
0xc4: {  	[tilespmem:s21+$0x230] =	vst v4;
	v4 =	vmul.f32 $2.771281240e+01, v8;
	v8 =	vld [tilespmem:s21+$0x620];
	_ =	sdelay $0x1  }
0xc5: {  	[tilespmem:s21+$0x240] =	vst v3;
	v3 =	vmul.f32 $2.771281240e+01, v9;
	v9 =	vld [tilespmem:s21+$0x670]  }
0xc6: {  	[tilespmem:s21+$0x250] =	vst v4;
	v4 =	vmul.f32 $2.771281240e+01, v5;
	v5 =	vld [tilespmem:s21+$0x630]  }
0xc7: {  	[tilespmem:s21+$0x260] =	vst v3;
	v3 =	vmul.f32 $2.771281240e+01, v6;
	v6 =	vld [tilespmem:s21+$0x640]  }
0xc8: {  	[tilespmem:s21+$0x270] =	vst v4;
	v4 =	vmul.f32 $2.771281240e+01, v7;
	v7 =	vmul.f32 $2.771281240e+01, v8;
	v8 =	vld [tilespmem:s21+$0x660]  }
0xc9: {  	[tilespmem:s21+$0x600] =	vst v3;
	v3 =	vld [tilespmem:s21+$0x650]  }
0xca: {  	[tilespmem:s21+$0x610] =	vst v4;
	v4 =	vld [tilespmem:s21+$0xA00];
	v9 =	vmul.f32 $2.771281240e+01, v9  }
0xcb: {  	[tilespmem:s21+$0x620] =	vst v7;
	v7 =	vld [tilespmem:s21+$0xA10];
	v5 =	vmul.f32 $2.771281240e+01, v5  }
0xcc: {  	v6 =	vmul.f32 $2.771281240e+01, v6;
	[tilespmem:s21+$0x670] =	vst v9  }
0xcd: {  	[tilespmem:s21+$0x630] =	vst v5;
	v5 =	vld [tilespmem:s21+$0xA20];
	v8 =	vmul.f32 $2.771281240e+01, v8  }
0xce: {  	v3 =	vmul.f32 $2.771281240e+01, v3;
	[tilespmem:s21+$0x640] =	vst v6;
	v6 =	vld [tilespmem:s21+$0xA30]  }
0xcf: {  	v9 =	vld [tilespmem:s21+$0xA70];
	[tilespmem:s21+$0x660] =	vst v8;
	v4 =	vmul.f32 $2.771281240e+01, v4  }
0xd0: {  	v7 =	vmul.f32 $2.771281240e+01, v7;
	[tilespmem:s21+$0x650] =	vst v3;
	v3 =	vld [tilespmem:s21+$0xA40]  }
0xd1: {  	v8 =	vld [tilespmem:s21+$0xA50];
	[tilespmem:s21+$0xA00] =	vst v4  }
0xd2: {  	[tilespmem:s21+$0xA10] =	vst v7;
	v7 =	vld [tilespmem:s21+$0xA60];
	v4 =	vmul.f32 $2.771281240e+01, v5  }
0xd3: {  	v5 =	vld [tilespmem:s21+$0xE00];
	v6 =	vmul.f32 $2.771281240e+01, v6  }
0xd4: {  	[tilespmem:s21+$0xA20] =	vst v4;
	v4 =	vld [tilespmem:s21+$0xE10]  }
0xd5: {  	v3 =	vmul.f32 $2.771281240e+01, v3;
	[tilespmem:s21+$0xA30] =	vst v6;
	v6 =	vld [tilespmem:s21+$0xE20]  }
0xd6: {  	v8 =	vmul.f32 $2.771281240e+01, v8  }
0xd7: {  	v7 =	vmul.f32 $2.771281240e+01, v7;
	[tilespmem:s21+$0xA40] =	vst v3;
	v3 =	vld [tilespmem:s21+$0xE30]  }
0xd8: {  	[tilespmem:s21+$0xA50] =	vst v8;
	v8 =	vld [tilespmem:s21+$0xE40];
	v5 =	vmul.f32 $2.771281240e+01, v5  }
0xd9: {  	v9 =	vmul.f32 $2.771281240e+01, v9;
	[tilespmem:s21+$0xA60] =	vst v7;
	v7 =	vld [tilespmem:s21+$0xE50]  }
0xda: {  	v4 =	vmul.f32 $2.771281240e+01, v4;
	[tilespmem:s21+$0xE00] =	vst v5;
	v5 =	vmul.f32 $2.771281240e+01, v6;
	v6 =	vld [tilespmem:s21+$0xE60]  }
0xdb: {  	[tilespmem:s21+$0xA70] =	vst v9;
	v9 =	vld [tilespmem:s21+$0xE70]  }
0xdc: {  	[tilespmem:s21+$0xE10] =	vst v4;
	v4 =	vld [tilespmem:s21+$0x1200];
	v3 =	vmul.f32 $2.771281240e+01, v3  }
0xdd: {  	v8 =	vmul.f32 $2.771281240e+01, v8;
	[tilespmem:s21+$0xE20] =	vst v5;
	v5 =	vld [tilespmem:s21+$0x1210]  }
0xde: {  	v7 =	vmul.f32 $2.771281240e+01, v7;
	[tilespmem:s21+$0xE30] =	vst v3;
	v3 =	vld [tilespmem:s21+$0x1220]  }
0xdf: {  	[tilespmem:s21+$0xE40] =	vst v8;
	v8 =	vld [tilespmem:s21+$0x1230];
	v6 =	vmul.f32 $2.771281240e+01, v6  }
0xe0: {  	v10 =	vld [tilespmem:s21+$0x1240];
	[tilespmem:s21+$0xE50] =	vst v7;
	v7 =	vmul.f32 $2.771281240e+01, v9  }
0xe1: {  	v11 =	vld [tilespmem:s21+$0x1250];
	v4 =	vmul.f32 $2.771281240e+01, v4;
	[tilespmem:s21+$0xE60] =	vst v6  }
0xe2: {  	[tilespmem:s21+$0xE70] =	vst v7;
	v5 =	vmul.f32 $2.771281240e+01, v5;
	v6 =	vld [tilespmem:s21+$0x1260]  }
0xe3: {  	v7 =	vld [tilespmem:s21+$0x1270];
	[tilespmem:s21+$0x1200] =	vst v4;
	v3 =	vmul.f32 $2.771281240e+01, v3  }
0xe4: {  	v4 =	vld [tilespmem:s21+$0x1600];
	[tilespmem:s21+$0x1210] =	vst v5;
	v5 =	vmul.f32 $2.771281240e+01, v8  }
0xe5: {  	v9 =	vmul.f32 $2.771281240e+01, v10;
	[tilespmem:s21+$0x1220] =	vst v3;
	v3 =	vld [tilespmem:s21+$0x1610]  }
0xe6: {  	s20 =	simm.s32 $0x1;
	v8 =	vmul.f32 $2.771281240e+01, v11;
	[tilespmem:s21+$0x1230] =	vst v5;
	v5 =	vld [tilespmem:s21+$0x1620]  }
.LBB2_3:
0xe7: {  	s22 =	sshrl.u32 s20, $0x3;
	p0 =	sne.s32 s20, $0x3F;
	[tilespmem:s21+$0x1240] =	vst v9;
	v6 =	vmul.f32 $2.771281240e+01, v6;
	v9 =	vld [tilespmem:s21+$0x1630]  }
0xe8: {  	s22 =	smul.u32 $0x6000, s22;
	[tilespmem:s21+$0x1250] =	vst v8;
	v7 =	vmul.f32 $2.771281240e+01, v7;
	v8 =	vld [tilespmem:s21+$0x1640]  }
0xe9: {  	s19 =	sadd.s32 $0x80, s19;
	[tilespmem:s21+$0x1260] =	vst v6;
	v4 =	vmul.f32 $2.771281240e+01, v4;
	v6 =	vld [tilespmem:s21+$0x1650]  }
0xea: {  	s23 =	sand.u32 $0x380, s19;
	s22 =	sshra.s32 s22, $0x2;
	[tilespmem:s21+$0x1270] =	vst v7;
	v3 =	vmul.f32 $2.771281240e+01, v3;
	v7 =	vld [tilespmem:s21+$0x1660]  }
0xeb: {  	s22 =	sor.u32 s23, s22;
	[tilespmem:s21+$0x1600] =	vst v4;
	v4 =	vmul.f32 $2.771281240e+01, v5;
	v5 =	vld [tilespmem:s21+$0x1670]  }
0xec: {  	v10 =	vld [tilespmem:s22+$0x200];
	[tilespmem:s21+$0x1610] =	vst v3;
	v3 =	vmul.f32 $2.771281240e+01, v9  }
0xed: {  	v9 =	vld [tilespmem:s22+$0x210];
	[tilespmem:s21+$0x1620] =	vst v4;
	v4 =	vmul.f32 $2.771281240e+01, v8  }
0xee: {  	v8 =	vld [tilespmem:s22+$0x220];
	[tilespmem:s21+$0x1630] =	vst v3;
	v3 =	vmul.f32 $2.771281240e+01, v6  }
0xef: {  	v6 =	vld [tilespmem:s22+$0x230];
	[tilespmem:s21+$0x1640] =	vst v4;
	v4 =	vmul.f32 $2.771281240e+01, v7  }
0xf0: {  	v7 =	vld [tilespmem:s22+$0x240];
	[tilespmem:s21+$0x1650] =	vst v3;
	v3 =	vmul.f32 $2.771281240e+01, v5  }
0xf1: {  	v5 =	vmul.f32 $2.771281240e+01, v10;
	v10 =	vld [tilespmem:s22+$0x250];
	[tilespmem:s21+$0x1660] =	vst v4  }
0xf2: {  	v4 =	vmul.f32 $2.771281240e+01, v9;
	v9 =	vld [tilespmem:s22+$0x260];
	[tilespmem:s21+$0x1670] =	vst v3;
	s21 =	smov.u32 s22  }
0xf3: {  	[tilespmem:s21+$0x200] =	vst v5;
	v3 =	vmul.f32 $2.771281240e+01, v8;
	v5 =	vld [tilespmem:s21+$0x270]  }
0xf4: {  	[tilespmem:s21+$0x210] =	vst v4;
	v4 =	vmul.f32 $2.771281240e+01, v6;
	v6 =	vld [tilespmem:s21+$0x600]  }
0xf5: {  	[tilespmem:s21+$0x220] =	vst v3;
	v3 =	vmul.f32 $2.771281240e+01, v7;
	v7 =	vld [tilespmem:s21+$0x610]  }
0xf6: {  	[tilespmem:s21+$0x230] =	vst v4;
	v4 =	vmul.f32 $2.771281240e+01, v10;
	v8 =	vld [tilespmem:s21+$0x620]  }
0xf7: {  	[tilespmem:s21+$0x240] =	vst v3;
	v3 =	vmul.f32 $2.771281240e+01, v9;
	v9 =	vld [tilespmem:s21+$0x630]  }
0xf8: {  	[tilespmem:s21+$0x250] =	vst v4;
	v4 =	vmul.f32 $2.771281240e+01, v5;
	v5 =	vld [tilespmem:s21+$0x640]  }
0xf9: {  	[tilespmem:s21+$0x260] =	vst v3;
	v3 =	vmul.f32 $2.771281240e+01, v6;
	v6 =	vld [tilespmem:s21+$0x650]  }
0xfa: {  	[tilespmem:s21+$0x270] =	vst v4;
	v4 =	vmul.f32 $2.771281240e+01, v7;
	v7 =	vld [tilespmem:s21+$0x660]  }
0xfb: {  	[tilespmem:s21+$0x600] =	vst v3;
	v3 =	vmul.f32 $2.771281240e+01, v8;
	v8 =	vld [tilespmem:s21+$0x670]  }
0xfc: {  	[tilespmem:s21+$0x610] =	vst v4;
	v4 =	vmul.f32 $2.771281240e+01, v9;
	v9 =	vld [tilespmem:s21+$0xA00]  }
0xfd: {  	[tilespmem:s21+$0x620] =	vst v3;
	v3 =	vmul.f32 $2.771281240e+01, v5;
	v5 =	vld [tilespmem:s21+$0xA10]  }
0xfe: {  	[tilespmem:s21+$0x630] =	vst v4;
	v4 =	vmul.f32 $2.771281240e+01, v6;
	v6 =	vld [tilespmem:s21+$0xA20]  }
0xff: {  	[tilespmem:s21+$0x640] =	vst v3;
	v3 =	vmul.f32 $2.771281240e+01, v7;
	v7 =	vld [tilespmem:s21+$0xA30]  }
0x100: {  	[tilespmem:s21+$0x650] =	vst v4;
	v4 =	vmul.f32 $2.771281240e+01, v8;
	v8 =	vld [tilespmem:s21+$0xA40]  }
0x101: {  	[tilespmem:s21+$0x660] =	vst v3;
	v3 =	vmul.f32 $2.771281240e+01, v9;
	v9 =	vld [tilespmem:s21+$0xA50]  }
0x102: {  	[tilespmem:s21+$0x670] =	vst v4;
	v4 =	vmul.f32 $2.771281240e+01, v5;
	v5 =	vld [tilespmem:s21+$0xA60]  }
0x103: {  	[tilespmem:s21+$0xA00] =	vst v3;
	v3 =	vmul.f32 $2.771281240e+01, v6;
	v6 =	vld [tilespmem:s21+$0xA70]  }
0x104: {  	[tilespmem:s21+$0xA10] =	vst v4;
	v4 =	vmul.f32 $2.771281240e+01, v7;
	v7 =	vld [tilespmem:s21+$0xE00]  }
0x105: {  	[tilespmem:s21+$0xA20] =	vst v3;
	v3 =	vmul.f32 $2.771281240e+01, v8;
	v8 =	vld [tilespmem:s21+$0xE10]  }
0x106: {  	[tilespmem:s21+$0xA30] =	vst v4;
	v4 =	vmul.f32 $2.771281240e+01, v9;
	v9 =	vld [tilespmem:s21+$0xE20]  }
0x107: {  	[tilespmem:s21+$0xA40] =	vst v3;
	v3 =	vmul.f32 $2.771281240e+01, v5;
	v5 =	vld [tilespmem:s21+$0xE30]  }
0x108: {  	[tilespmem:s21+$0xA50] =	vst v4;
	v4 =	vmul.f32 $2.771281240e+01, v6;
	v6 =	vld [tilespmem:s21+$0xE40]  }
0x109: {  	[tilespmem:s21+$0xA60] =	vst v3;
	v3 =	vmul.f32 $2.771281240e+01, v7;
	v7 =	vld [tilespmem:s21+$0xE50]  }
0x10a: {  	[tilespmem:s21+$0xA70] =	vst v4;
	v4 =	vmul.f32 $2.771281240e+01, v8;
	v8 =	vld [tilespmem:s21+$0xE60]  }
0x10b: {  	[tilespmem:s21+$0xE00] =	vst v3;
	v3 =	vmul.f32 $2.771281240e+01, v9;
	v9 =	vld [tilespmem:s21+$0xE70]  }
0x10c: {  	[tilespmem:s21+$0xE10] =	vst v4;
	v4 =	vmul.f32 $2.771281240e+01, v5;
	v5 =	vld [tilespmem:s21+$0x1200]  }
0x10d: {  	[tilespmem:s21+$0xE20] =	vst v3;
	v3 =	vmul.f32 $2.771281240e+01, v6;
	v6 =	vld [tilespmem:s21+$0x1210]  }
0x10e: {  	[tilespmem:s21+$0xE30] =	vst v4;
	v4 =	vmul.f32 $2.771281240e+01, v7;
	v7 =	vld [tilespmem:s21+$0x1220]  }
0x10f: {  	[tilespmem:s21+$0xE40] =	vst v3;
	v3 =	vmul.f32 $2.771281240e+01, v8;
	v8 =	vld [tilespmem:s21+$0x1230]  }
0x110: {  	[tilespmem:s21+$0xE50] =	vst v4;
	v4 =	vmul.f32 $2.771281240e+01, v9;
	v9 =	vld [tilespmem:s21+$0x1240]  }
0x111: {  	[tilespmem:s21+$0xE60] =	vst v3;
	v3 =	vmul.f32 $2.771281240e+01, v5;
	v5 =	vld [tilespmem:s21+$0x1250]  }
.Ltmp2:
0x112: {  	[tilespmem:s21+$0xE70] =	vst v4;
	v4 =	vmul.f32 $2.771281240e+01, v6;
	v6 =	vld [tilespmem:s21+$0x1260];
	(pc) =	sbr.rel @p0 .LBB2_3-.Ltmp2, $4  }
0x113: {  	[tilespmem:s21+$0x1200] =	vst v3;
	v3 =	vmul.f32 $2.771281240e+01, v7;
	v7 =	vld [tilespmem:s21+$0x1270]  }
0x114: {  	[tilespmem:s21+$0x1210] =	vst v4;
	v8 =	vmul.f32 $2.771281240e+01, v8;
	v4 =	vld [tilespmem:s21+$0x1600]  }
0x115: {  	[tilespmem:s21+$0x1220] =	vst v3;
	v9 =	vmul.f32 $2.771281240e+01, v9;
	v3 =	vld [tilespmem:s21+$0x1610]  }
0x116: {  	s20 =	sadd.s32 $0x1, s20;
	[tilespmem:s21+$0x1230] =	vst v8;
	v8 =	vmul.f32 $2.771281240e+01, v5;
	v5 =	vld [tilespmem:s21+$0x1620]  }
0x117: {  	[tilespmem:s21+$0x1240] =	vst v9;
	v56 =	vld [tilespmem:s21+$0x1630];
	v6 =	vmul.f32 $2.771281240e+01, v6  }
0x118: {  	v57 =	vld [tilespmem:s21+$0x1640];
	[tilespmem:s21+$0x1250] =	vst v8;
	v7 =	vmul.f32 $2.771281240e+01, v7  }
0x119: {  	v58 =	vld [tilespmem:s21+$0x1650];
	[tilespmem:s21+$0x1260] =	vst v6;
	v4 =	vmul.f32 $2.771281240e+01, v4  }
0x11a: {  	v59 =	vld [tilespmem:s21+$0x1660];
	[tilespmem:s21+$0x1270] =	vst v7;
	v3 =	vmul.f32 $2.771281240e+01, v3  }
0x11b: {  	v61 =	vld [tilespmem:s21+$0x1670];
	[tilespmem:s21+$0x1600] =	vst v4;
	v60 =	vmul.f32 $2.771281240e+01, v5  }
0x11c: {  	[tilespmem:s21+$0x1610] =	vst v3;
	v3 =	vmul.f32 $2.771281240e+01, v56  }
0x11d: {  	s19 =	sshll.u32 s18, $0x7;
	v62 =	vmul.f32 $2.771281240e+01, v57;
	[tilespmem:s21+$0x1620] =	vst v60  }
0x11e: {  	s20 =	sor.u32 s5, s19;
	[tilespmem:s21+$0x1630] =	vst v3;
	v3 =	vmul.f32 $2.771281240e+01, v58  }
0x11f: {  	s20 =	sshrl.u32 s20, $0x3;
	v63 =	vmul.f32 $2.771281240e+01, v59;
	[tilespmem:s21+$0x1640] =	vst v62  }
0x120: {  	s20 =	smul.u32 $0x300, s20;
	[tilespmem:s21+$0x1650] =	vst v3;
	v3 =	vmul.f32 $2.771281240e+01, v61  }
0x121: {  	s25 =	rddreg [dreg:$0x2];
	p0 =	seq.s32 s18, $0x3;
	[tilespmem:s21+$0x1660] =	vst v63  }
.Ltmp3:
0x122: {  	[tilespmem:s21+$0x1670] =	vst v3;
	s21 =	sadd.s32 s25, s20;
	(pc) =	sbr.rel @p0 .LBB2_6-.Ltmp3, $4  }
0x123: {  	[hbm4b:s21+s4] =	stream.linear.scatter [tilespmem:s12], [sflag:$0x2], $0xC000, $0x38;
	[tilespmem:$0x18200] =	vst v63  }
0x124: {  	_ =	swait.ge [sflag:s13], $0xC000  }
0x125: {  	[sflag:s13] =	ssyncset.done $0x0  }
0x126: {  	[sflag:s13] =	ssyncadd.s32 $0xFFFF4000  }
0x127: {  	v3 =	vld [tilespmem:s19+$0x80];
	_ =	sdelay $0x4  }
0x128: {  	v4 =	vshrl.u32 v3, $0x3  }
0x129: {  	v4 =	vmul.u32 $0x30, v4  }
0x12a: {  	v3 =	vand.u32 $0x7, v3  }
0x12b: {  	v3 =	vor.u32 v3, v4  }
0x12c: {  	v4 =	vperm.xlane v3, v0;
	_ =	sdelay $0x1  }
0x12d: {  	v4 =	vadd.s32 v1, v4;
	_ =	sdelay $0x3  }
0x12e: {  	v3 =	vperm.xlane v3, v2  }
0x12f: {  	[tilespmem:s12], [sflag:$0x1] =	stream.indirect_vreg.gather [hbm4b:s1+s4], $0x80, v4, vm0, $0xb8;
	[tilespmem:$0x18200] =	vst v63  }
0x130: {  	s21 =	simm.s32 $0xA00;
	v3 =	vadd.s32 v1, v3  }
0x131: {  	[tilespmem:s21], [sflag:$0x1] =	stream.indirect_vreg.gather [hbm4b:s7+s4], $0x80, v4, vm0, $0xb8;
	[tilespmem:$0x18200] =	vst v63  }
0x132: {  	s24 =	simm.s32 $0x1200  }
0x133: {  	[tilespmem:s24], [sflag:$0x1] =	stream.indirect_vreg.gather [hbm4b:s8+s4], $0x80, v4, vm0, $0xb8;
	[tilespmem:$0x18200] =	vst v63  }
0x134: {  	s25 =	simm.s32 $0x1A00  }
0x135: {  	[tilespmem:s25], [sflag:$0x1] =	stream.indirect_vreg.gather [hbm4b:s1+s4], $0x80, v3, vm0, $0xb8;
	[tilespmem:$0x18200] =	vst v63  }
0x136: {  	s22 =	simm.s32 $0x2200  }
0x137: {  	[tilespmem:s22], [sflag:$0x1] =	stream.indirect_vreg.gather [hbm4b:s7+s4], $0x80, v3, vm0, $0xb8;
	[tilespmem:$0x18200] =	vst v63  }
0x138: {  	s23 =	simm.s32 $0x2A00  }
0x139: {  	[tilespmem:s23], [sflag:$0x1] =	stream.indirect_vreg.gather [hbm4b:s8+s4], $0x80, v3, vm0, $0xb8;
	[tilespmem:$0x18200] =	vst v63  }
0x13a: {  	v3 =	vld [tilespmem:s19+$0x90];
	_ =	sdelay $0x4  }
0x13b: {  	v61 =	vshrl.u32 v3, $0x3  }
0x13c: {  	v4 =	vmul.u32 $0x30, v61  }
0x13d: {  	v3 =	vand.u32 $0x7, v3  }
0x13e: {  	v3 =	vor.u32 v3, v4  }
0x13f: {  	v4 =	vperm.xlane v3, v0;
	_ =	sdelay $0x1  }
0x140: {  	v4 =	vadd.s32 v1, v4;
	_ =	sdelay $0x3  }
0x141: {  	s24 =	simm.s32 $0x3200;
	v3 =	vperm.xlane v3, v2  }
0x142: {  	[tilespmem:s24], [sflag:$0x1] =	stream.indirect_vreg.gather [hbm4b:s1+s4], $0x80, v4, vm0, $0xb8;
	[tilespmem:$0x18200] =	vst v63  }
0x143: {  	s25 =	simm.s32 $0x3A00;
	v3 =	vadd.s32 v1, v3  }
0x144: {  	[tilespmem:s25], [sflag:$0x1] =	stream.indirect_vreg.gather [hbm4b:s7+s4], $0x80, v4, vm0, $0xb8;
	[tilespmem:$0x18200] =	vst v63  }
0x145: {  	s22 =	simm.s32 $0x4200  }
0x146: {  	[tilespmem:s22], [sflag:$0x1] =	stream.indirect_vreg.gather [hbm4b:s8+s4], $0x80, v4, vm0, $0xb8;
	[tilespmem:$0x18200] =	vst v63  }
0x147: {  	s23 =	simm.s32 $0x4A00  }
0x148: {  	[tilespmem:s23], [sflag:$0x1] =	stream.indirect_vreg.gather [hbm4b:s1+s4], $0x80, v3, vm0, $0xb8;
	[tilespmem:$0x18200] =	vst v63  }
0x149: {  	s24 =	simm.s32 $0x5200  }
0x14a: {  	[tilespmem:s24], [sflag:$0x1] =	stream.indirect_vreg.gather [hbm4b:s7+s4], $0x80, v3, vm0, $0xb8;
	[tilespmem:$0x18200] =	vst v63  }
0x14b: {  	s25 =	simm.s32 $0x5A00  }
0x14c: {  	[tilespmem:s25], [sflag:$0x1] =	stream.indirect_vreg.gather [hbm4b:s8+s4], $0x80, v3, vm0, $0xb8;
	[tilespmem:$0x18200] =	vst v63  }
0x14d: {  	v3 =	vld [tilespmem:s19+$0xA0];
	_ =	sdelay $0x4  }
0x14e: {  	v62 =	vshrl.u32 v3, $0x3  }
0x14f: {  	v4 =	vmul.u32 $0x30, v62  }
0x150: {  	v3 =	vand.u32 $0x7, v3  }
0x151: {  	v3 =	vor.u32 v3, v4  }
0x152: {  	v4 =	vperm.xlane v3, v0;
	_ =	sdelay $0x1  }
0x153: {  	v4 =	vadd.s32 v1, v4;
	_ =	sdelay $0x3  }
0x154: {  	s22 =	simm.s32 $0x6200;
	v3 =	vperm.xlane v3, v2  }
0x155: {  	[tilespmem:s22], [sflag:$0x1] =	stream.indirect_vreg.gather [hbm4b:s1+s4], $0x80, v4, vm0, $0xb8;
	[tilespmem:$0x18200] =	vst v63  }
0x156: {  	s23 =	simm.s32 $0x6A00;
	v3 =	vadd.s32 v1, v3  }
0x157: {  	[tilespmem:s23], [sflag:$0x1] =	stream.indirect_vreg.gather [hbm4b:s7+s4], $0x80, v4, vm0, $0xb8;
	[tilespmem:$0x18200] =	vst v63  }
0x158: {  	s24 =	simm.s32 $0x7200  }
0x159: {  	[tilespmem:s24], [sflag:$0x1] =	stream.indirect_vreg.gather [hbm4b:s8+s4], $0x80, v4, vm0, $0xb8;
	[tilespmem:$0x18200] =	vst v63  }
0x15a: {  	s25 =	simm.s32 $0x7A00  }
0x15b: {  	[tilespmem:s25], [sflag:$0x1] =	stream.indirect_vreg.gather [hbm4b:s1+s4], $0x80, v3, vm0, $0xb8;
	[tilespmem:$0x18200] =	vst v63  }
0x15c: {  	s22 =	simm.s32 $0x8200  }
0x15d: {  	[tilespmem:s22], [sflag:$0x1] =	stream.indirect_vreg.gather [hbm4b:s7+s4], $0x80, v3, vm0, $0xb8;
	[tilespmem:$0x18200] =	vst v63  }
0x15e: {  	s23 =	simm.s32 $0x8A00  }
0x15f: {  	[tilespmem:s23], [sflag:$0x1] =	stream.indirect_vreg.gather [hbm4b:s8+s4], $0x80, v3, vm0, $0xb8;
	[tilespmem:$0x18200] =	vst v63  }
0x160: {  	v3 =	vld [tilespmem:s19+$0xB0];
	_ =	sdelay $0x4  }
0x161: {  	v63 =	vshrl.u32 v3, $0x3  }
0x162: {  	v4 =	vmul.u32 $0x30, v63  }
0x163: {  	v3 =	vand.u32 $0x7, v3  }
0x164: {  	v3 =	vor.u32 v3, v4  }
0x165: {  	v4 =	vperm.xlane v3, v0;
	_ =	sdelay $0x1  }
0x166: {  	v4 =	vadd.s32 v1, v4;
	_ =	sdelay $0x3  }
0x167: {  	s24 =	simm.s32 $0x9200;
	v3 =	vperm.xlane v3, v2  }
0x168: {  	[tilespmem:s24], [sflag:$0x1] =	stream.indirect_vreg.gather [hbm4b:s1+s4], $0x80, v4, vm0, $0xb8;
	[tilespmem:$0x18200] =	vst v63  }
0x169: {  	s25 =	simm.s32 $0x9A00;
	v3 =	vadd.s32 v1, v3  }
0x16a: {  	[tilespmem:s25], [sflag:$0x1] =	stream.indirect_vreg.gather [hbm4b:s7+s4], $0x80, v4, vm0, $0xb8;
	[tilespmem:$0x18200] =	vst v63  }
0x16b: {  	s22 =	simm.s32 $0xA200  }
0x16c: {  	[tilespmem:s22], [sflag:$0x1] =	stream.indirect_vreg.gather [hbm4b:s8+s4], $0x80, v4, vm0, $0xb8;
	[tilespmem:$0x18200] =	vst v63  }
0x16d: {  	s23 =	simm.s32 $0xAA00  }
0x16e: {  	[tilespmem:s23], [sflag:$0x1] =	stream.indirect_vreg.gather [hbm4b:s1+s4], $0x80, v3, vm0, $0xb8;
	[tilespmem:$0x18200] =	vst v63  }
0x16f: {  	s24 =	simm.s32 $0xB200  }
0x170: {  	[tilespmem:s24], [sflag:$0x1] =	stream.indirect_vreg.gather [hbm4b:s7+s4], $0x80, v3, vm0, $0xb8;
	[tilespmem:$0x18200] =	vst v63  }
0x171: {  	s25 =	simm.s32 $0xBA00  }
0x172: {  	[tilespmem:s25], [sflag:$0x1] =	stream.indirect_vreg.gather [hbm4b:s8+s4], $0x80, v3, vm0, $0xb8;
	[tilespmem:$0x18200] =	vst v63  }
.LBB2_6:
0x173: {  	s21 =	simm.s32 $0x0  }
0x174: {  	s21 =	smul.u32 $0x6000, s21  }
0x175: {  	_ =	swait.ge [sflag:s17], $0xC000;
	s22 =	simm.s32 $0x0  }
0x176: {  	[sflag:s17] =	ssyncset.done $0x0;
	s23 =	sand.u32 $0x380, s22;
	s21 =	sshra.s32 s21, $0x2  }
0x177: {  	[sflag:s17] =	ssyncadd.s32 $0xFFFF4000;
	s21 =	sor.u32 s23, s21  }
0x178: {  	v3 =	vld [tilespmem:s21+$0xC200]  }
0x179: {  	v4 =	vld [tilespmem:s21+$0xC210]  }
0x17a: {  	v5 =	vld [tilespmem:s21+$0xC220]  }
0x17b: {  	v6 =	vld [tilespmem:s21+$0xC230]  }
0x17c: {  	v7 =	vld [tilespmem:s21+$0xC240]  }
0x17d: {  	v8 =	vld [tilespmem:s21+$0xC250];
	v3 =	vmul.f32 $2.771281240e+01, v3  }
0x17e: {  	v9 =	vld [tilespmem:s21+$0xC260];
	v4 =	vmul.f32 $2.771281240e+01, v4  }
0x17f: {  	[tilespmem:s21+$0xC200] =	vst v3;
	v3 =	vmul.f32 $2.771281240e+01, v5;
	v5 =	vld [tilespmem:s21+$0xC270]  }
0x180: {  	[tilespmem:s21+$0xC210] =	vst v4;
	v4 =	vmul.f32 $2.771281240e+01, v6;
	v6 =	vld [tilespmem:s21+$0xC600]  }
0x181: {  	[tilespmem:s21+$0xC220] =	vst v3;
	v3 =	vmul.f32 $2.771281240e+01, v7;
	v7 =	vld [tilespmem:s21+$0xC610]  }
0x182: {  	[tilespmem:s21+$0xC230] =	vst v4;
	v4 =	vmul.f32 $2.771281240e+01, v8;
	v8 =	vld [tilespmem:s21+$0xC620];
	_ =	sdelay $0x1  }
0x183: {  	[tilespmem:s21+$0xC240] =	vst v3;
	v3 =	vmul.f32 $2.771281240e+01, v9;
	v9 =	vld [tilespmem:s21+$0xC670]  }
0x184: {  	[tilespmem:s21+$0xC250] =	vst v4;
	v4 =	vmul.f32 $2.771281240e+01, v5;
	v5 =	vld [tilespmem:s21+$0xC630]  }
0x185: {  	[tilespmem:s21+$0xC260] =	vst v3;
	v3 =	vmul.f32 $2.771281240e+01, v6;
	v6 =	vld [tilespmem:s21+$0xC640]  }
0x186: {  	[tilespmem:s21+$0xC270] =	vst v4;
	v4 =	vmul.f32 $2.771281240e+01, v7;
	v7 =	vmul.f32 $2.771281240e+01, v8;
	v8 =	vld [tilespmem:s21+$0xC660]  }
0x187: {  	[tilespmem:s21+$0xC600] =	vst v3;
	v3 =	vld [tilespmem:s21+$0xC650]  }
0x188: {  	[tilespmem:s21+$0xC610] =	vst v4;
	v4 =	vld [tilespmem:s21+$0xCA00];
	v9 =	vmul.f32 $2.771281240e+01, v9  }
0x189: {  	[tilespmem:s21+$0xC620] =	vst v7;
	v7 =	vld [tilespmem:s21+$0xCA10];
	v5 =	vmul.f32 $2.771281240e+01, v5  }
0x18a: {  	v6 =	vmul.f32 $2.771281240e+01, v6;
	[tilespmem:s21+$0xC670] =	vst v9  }
0x18b: {  	[tilespmem:s21+$0xC630] =	vst v5;
	v5 =	vld [tilespmem:s21+$0xCA20];
	v8 =	vmul.f32 $2.771281240e+01, v8  }
0x18c: {  	v3 =	vmul.f32 $2.771281240e+01, v3;
	[tilespmem:s21+$0xC640] =	vst v6;
	v6 =	vld [tilespmem:s21+$0xCA30]  }
0x18d: {  	v9 =	vld [tilespmem:s21+$0xCA70];
	[tilespmem:s21+$0xC660] =	vst v8;
	v4 =	vmul.f32 $2.771281240e+01, v4  }
0x18e: {  	v7 =	vmul.f32 $2.771281240e+01, v7;
	[tilespmem:s21+$0xC650] =	vst v3;
	v3 =	vld [tilespmem:s21+$0xCA40]  }
0x18f: {  	v8 =	vld [tilespmem:s21+$0xCA50];
	[tilespmem:s21+$0xCA00] =	vst v4  }
0x190: {  	[tilespmem:s21+$0xCA10] =	vst v7;
	v7 =	vld [tilespmem:s21+$0xCA60];
	v4 =	vmul.f32 $2.771281240e+01, v5  }
0x191: {  	v5 =	vld [tilespmem:s21+$0xCE00];
	v6 =	vmul.f32 $2.771281240e+01, v6  }
0x192: {  	[tilespmem:s21+$0xCA20] =	vst v4;
	v4 =	vld [tilespmem:s21+$0xCE10]  }
0x193: {  	v3 =	vmul.f32 $2.771281240e+01, v3;
	[tilespmem:s21+$0xCA30] =	vst v6;
	v6 =	vld [tilespmem:s21+$0xCE20]  }
0x194: {  	v8 =	vmul.f32 $2.771281240e+01, v8  }
0x195: {  	v7 =	vmul.f32 $2.771281240e+01, v7;
	[tilespmem:s21+$0xCA40] =	vst v3;
	v3 =	vld [tilespmem:s21+$0xCE30]  }
0x196: {  	[tilespmem:s21+$0xCA50] =	vst v8;
	v8 =	vld [tilespmem:s21+$0xCE40];
	v5 =	vmul.f32 $2.771281240e+01, v5  }
0x197: {  	v9 =	vmul.f32 $2.771281240e+01, v9;
	[tilespmem:s21+$0xCA60] =	vst v7;
	v7 =	vld [tilespmem:s21+$0xCE50]  }
0x198: {  	v4 =	vmul.f32 $2.771281240e+01, v4;
	[tilespmem:s21+$0xCE00] =	vst v5;
	v5 =	vmul.f32 $2.771281240e+01, v6;
	v6 =	vld [tilespmem:s21+$0xCE60]  }
0x199: {  	[tilespmem:s21+$0xCA70] =	vst v9;
	v9 =	vld [tilespmem:s21+$0xCE70]  }
0x19a: {  	[tilespmem:s21+$0xCE10] =	vst v4;
	v4 =	vld [tilespmem:s21+$0xD200];
	v3 =	vmul.f32 $2.771281240e+01, v3  }
0x19b: {  	v8 =	vmul.f32 $2.771281240e+01, v8;
	[tilespmem:s21+$0xCE20] =	vst v5;
	v5 =	vld [tilespmem:s21+$0xD210]  }
0x19c: {  	v7 =	vmul.f32 $2.771281240e+01, v7;
	[tilespmem:s21+$0xCE30] =	vst v3;
	v3 =	vld [tilespmem:s21+$0xD220]  }
0x19d: {  	[tilespmem:s21+$0xCE40] =	vst v8;
	v8 =	vld [tilespmem:s21+$0xD230];
	v6 =	vmul.f32 $2.771281240e+01, v6  }
0x19e: {  	v10 =	vld [tilespmem:s21+$0xD240];
	[tilespmem:s21+$0xCE50] =	vst v7;
	v7 =	vmul.f32 $2.771281240e+01, v9  }
0x19f: {  	v11 =	vld [tilespmem:s21+$0xD250];
	v4 =	vmul.f32 $2.771281240e+01, v4;
	[tilespmem:s21+$0xCE60] =	vst v6  }
0x1a0: {  	[tilespmem:s21+$0xCE70] =	vst v7;
	v5 =	vmul.f32 $2.771281240e+01, v5;
	v6 =	vld [tilespmem:s21+$0xD260]  }
0x1a1: {  	v7 =	vld [tilespmem:s21+$0xD270];
	[tilespmem:s21+$0xD200] =	vst v4;
	v3 =	vmul.f32 $2.771281240e+01, v3  }
0x1a2: {  	v4 =	vld [tilespmem:s21+$0xD600];
	[tilespmem:s21+$0xD210] =	vst v5;
	v5 =	vmul.f32 $2.771281240e+01, v8  }
0x1a3: {  	v9 =	vmul.f32 $2.771281240e+01, v10;
	[tilespmem:s21+$0xD220] =	vst v3;
	v3 =	vld [tilespmem:s21+$0xD610]  }
0x1a4: {  	s23 =	simm.s32 $0x1;
	v8 =	vmul.f32 $2.771281240e+01, v11;
	[tilespmem:s21+$0xD230] =	vst v5;
	v5 =	vld [tilespmem:s21+$0xD620]  }
.LBB2_7:
0x1a5: {  	s24 =	sshrl.u32 s23, $0x3;
	p1 =	sne.s32 s23, $0x3F;
	[tilespmem:s21+$0xD240] =	vst v9;
	v6 =	vmul.f32 $2.771281240e+01, v6;
	v9 =	vld [tilespmem:s21+$0xD630]  }
0x1a6: {  	s24 =	smul.u32 $0x6000, s24;
	[tilespmem:s21+$0xD250] =	vst v8;
	v7 =	vmul.f32 $2.771281240e+01, v7;
	v8 =	vld [tilespmem:s21+$0xD640]  }
0x1a7: {  	s22 =	sadd.s32 $0x80, s22;
	[tilespmem:s21+$0xD260] =	vst v6;
	v4 =	vmul.f32 $2.771281240e+01, v4;
	v6 =	vld [tilespmem:s21+$0xD650]  }
0x1a8: {  	s25 =	sand.u32 $0x380, s22;
	s24 =	sshra.s32 s24, $0x2;
	[tilespmem:s21+$0xD270] =	vst v7;
	v3 =	vmul.f32 $2.771281240e+01, v3;
	v7 =	vld [tilespmem:s21+$0xD660]  }
0x1a9: {  	s24 =	sor.u32 s25, s24;
	[tilespmem:s21+$0xD600] =	vst v4;
	v4 =	vmul.f32 $2.771281240e+01, v5;
	v5 =	vld [tilespmem:s21+$0xD670]  }
0x1aa: {  	v10 =	vld [tilespmem:s24+$0xC200];
	[tilespmem:s21+$0xD610] =	vst v3;
	v3 =	vmul.f32 $2.771281240e+01, v9  }
0x1ab: {  	v9 =	vld [tilespmem:s24+$0xC210];
	[tilespmem:s21+$0xD620] =	vst v4;
	v4 =	vmul.f32 $2.771281240e+01, v8  }
0x1ac: {  	v8 =	vld [tilespmem:s24+$0xC220];
	[tilespmem:s21+$0xD630] =	vst v3;
	v3 =	vmul.f32 $2.771281240e+01, v6  }
0x1ad: {  	v6 =	vld [tilespmem:s24+$0xC230];
	[tilespmem:s21+$0xD640] =	vst v4;
	v4 =	vmul.f32 $2.771281240e+01, v7  }
0x1ae: {  	v7 =	vld [tilespmem:s24+$0xC240];
	[tilespmem:s21+$0xD650] =	vst v3;
	v3 =	vmul.f32 $2.771281240e+01, v5  }
0x1af: {  	v5 =	vmul.f32 $2.771281240e+01, v10;
	v10 =	vld [tilespmem:s24+$0xC250];
	[tilespmem:s21+$0xD660] =	vst v4  }
0x1b0: {  	v4 =	vmul.f32 $2.771281240e+01, v9;
	v9 =	vld [tilespmem:s24+$0xC260];
	[tilespmem:s21+$0xD670] =	vst v3;
	s21 =	smov.u32 s24  }
0x1b1: {  	[tilespmem:s21+$0xC200] =	vst v5;
	v3 =	vmul.f32 $2.771281240e+01, v8;
	v5 =	vld [tilespmem:s21+$0xC270]  }
0x1b2: {  	[tilespmem:s21+$0xC210] =	vst v4;
	v4 =	vmul.f32 $2.771281240e+01, v6;
	v6 =	vld [tilespmem:s21+$0xC600]  }
0x1b3: {  	[tilespmem:s21+$0xC220] =	vst v3;
	v3 =	vmul.f32 $2.771281240e+01, v7;
	v7 =	vld [tilespmem:s21+$0xC610]  }
0x1b4: {  	[tilespmem:s21+$0xC230] =	vst v4;
	v4 =	vmul.f32 $2.771281240e+01, v10;
	v8 =	vld [tilespmem:s21+$0xC620]  }
0x1b5: {  	[tilespmem:s21+$0xC240] =	vst v3;
	v3 =	vmul.f32 $2.771281240e+01, v9;
	v9 =	vld [tilespmem:s21+$0xC630]  }
0x1b6: {  	[tilespmem:s21+$0xC250] =	vst v4;
	v4 =	vmul.f32 $2.771281240e+01, v5;
	v5 =	vld [tilespmem:s21+$0xC640]  }
0x1b7: {  	[tilespmem:s21+$0xC260] =	vst v3;
	v3 =	vmul.f32 $2.771281240e+01, v6;
	v6 =	vld [tilespmem:s21+$0xC650]  }
0x1b8: {  	[tilespmem:s21+$0xC270] =	vst v4;
	v4 =	vmul.f32 $2.771281240e+01, v7;
	v7 =	vld [tilespmem:s21+$0xC660]  }
0x1b9: {  	[tilespmem:s21+$0xC600] =	vst v3;
	v3 =	vmul.f32 $2.771281240e+01, v8;
	v8 =	vld [tilespmem:s21+$0xC670]  }
0x1ba: {  	[tilespmem:s21+$0xC610] =	vst v4;
	v4 =	vmul.f32 $2.771281240e+01, v9;
	v9 =	vld [tilespmem:s21+$0xCA00]  }
0x1bb: {  	[tilespmem:s21+$0xC620] =	vst v3;
	v3 =	vmul.f32 $2.771281240e+01, v5;
	v5 =	vld [tilespmem:s21+$0xCA10]  }
0x1bc: {  	[tilespmem:s21+$0xC630] =	vst v4;
	v4 =	vmul.f32 $2.771281240e+01, v6;
	v6 =	vld [tilespmem:s21+$0xCA20]  }
0x1bd: {  	[tilespmem:s21+$0xC640] =	vst v3;
	v3 =	vmul.f32 $2.771281240e+01, v7;
	v7 =	vld [tilespmem:s21+$0xCA30]  }
0x1be: {  	[tilespmem:s21+$0xC650] =	vst v4;
	v4 =	vmul.f32 $2.771281240e+01, v8;
	v8 =	vld [tilespmem:s21+$0xCA40]  }
0x1bf: {  	[tilespmem:s21+$0xC660] =	vst v3;
	v3 =	vmul.f32 $2.771281240e+01, v9;
	v9 =	vld [tilespmem:s21+$0xCA50]  }
0x1c0: {  	[tilespmem:s21+$0xC670] =	vst v4;
	v4 =	vmul.f32 $2.771281240e+01, v5;
	v5 =	vld [tilespmem:s21+$0xCA60]  }
0x1c1: {  	[tilespmem:s21+$0xCA00] =	vst v3;
	v3 =	vmul.f32 $2.771281240e+01, v6;
	v6 =	vld [tilespmem:s21+$0xCA70]  }
0x1c2: {  	[tilespmem:s21+$0xCA10] =	vst v4;
	v4 =	vmul.f32 $2.771281240e+01, v7;
	v7 =	vld [tilespmem:s21+$0xCE00]  }
0x1c3: {  	[tilespmem:s21+$0xCA20] =	vst v3;
	v3 =	vmul.f32 $2.771281240e+01, v8;
	v8 =	vld [tilespmem:s21+$0xCE10]  }
0x1c4: {  	[tilespmem:s21+$0xCA30] =	vst v4;
	v4 =	vmul.f32 $2.771281240e+01, v9;
	v9 =	vld [tilespmem:s21+$0xCE20]  }
0x1c5: {  	[tilespmem:s21+$0xCA40] =	vst v3;
	v3 =	vmul.f32 $2.771281240e+01, v5;
	v5 =	vld [tilespmem:s21+$0xCE30]  }
0x1c6: {  	[tilespmem:s21+$0xCA50] =	vst v4;
	v4 =	vmul.f32 $2.771281240e+01, v6;
	v6 =	vld [tilespmem:s21+$0xCE40]  }
0x1c7: {  	[tilespmem:s21+$0xCA60] =	vst v3;
	v3 =	vmul.f32 $2.771281240e+01, v7;
	v7 =	vld [tilespmem:s21+$0xCE50]  }
0x1c8: {  	[tilespmem:s21+$0xCA70] =	vst v4;
	v4 =	vmul.f32 $2.771281240e+01, v8;
	v8 =	vld [tilespmem:s21+$0xCE60]  }
0x1c9: {  	[tilespmem:s21+$0xCE00] =	vst v3;
	v3 =	vmul.f32 $2.771281240e+01, v9;
	v9 =	vld [tilespmem:s21+$0xCE70]  }
0x1ca: {  	[tilespmem:s21+$0xCE10] =	vst v4;
	v4 =	vmul.f32 $2.771281240e+01, v5;
	v5 =	vld [tilespmem:s21+$0xD200]  }
0x1cb: {  	[tilespmem:s21+$0xCE20] =	vst v3;
	v3 =	vmul.f32 $2.771281240e+01, v6;
	v6 =	vld [tilespmem:s21+$0xD210]  }
0x1cc: {  	[tilespmem:s21+$0xCE30] =	vst v4;
	v4 =	vmul.f32 $2.771281240e+01, v7;
	v7 =	vld [tilespmem:s21+$0xD220]  }
0x1cd: {  	[tilespmem:s21+$0xCE40] =	vst v3;
	v3 =	vmul.f32 $2.771281240e+01, v8;
	v8 =	vld [tilespmem:s21+$0xD230]  }
0x1ce: {  	[tilespmem:s21+$0xCE50] =	vst v4;
	v4 =	vmul.f32 $2.771281240e+01, v9;
	v9 =	vld [tilespmem:s21+$0xD240]  }
0x1cf: {  	[tilespmem:s21+$0xCE60] =	vst v3;
	v3 =	vmul.f32 $2.771281240e+01, v5;
	v5 =	vld [tilespmem:s21+$0xD250]  }
.Ltmp4:
0x1d0: {  	[tilespmem:s21+$0xCE70] =	vst v4;
	v4 =	vmul.f32 $2.771281240e+01, v6;
	v6 =	vld [tilespmem:s21+$0xD260];
	(pc) =	sbr.rel @p1 .LBB2_7-.Ltmp4, $4  }
0x1d1: {  	[tilespmem:s21+$0xD200] =	vst v3;
	v3 =	vmul.f32 $2.771281240e+01, v7;
	v7 =	vld [tilespmem:s21+$0xD270]  }
0x1d2: {  	[tilespmem:s21+$0xD210] =	vst v4;
	v8 =	vmul.f32 $2.771281240e+01, v8;
	v4 =	vld [tilespmem:s21+$0xD600]  }
0x1d3: {  	[tilespmem:s21+$0xD220] =	vst v3;
	v9 =	vmul.f32 $2.771281240e+01, v9;
	v3 =	vld [tilespmem:s21+$0xD610]  }
0x1d4: {  	s23 =	sadd.s32 $0x1, s23;
	[tilespmem:s21+$0xD230] =	vst v8;
	v8 =	vmul.f32 $2.771281240e+01, v5;
	v5 =	vld [tilespmem:s21+$0xD620]  }
0x1d5: {  	[tilespmem:s21+$0xD240] =	vst v9;
	v56 =	vld [tilespmem:s21+$0xD630];
	v6 =	vmul.f32 $2.771281240e+01, v6  }
0x1d6: {  	v57 =	vld [tilespmem:s21+$0xD640];
	[tilespmem:s21+$0xD250] =	vst v8;
	v7 =	vmul.f32 $2.771281240e+01, v7  }
0x1d7: {  	v58 =	vld [tilespmem:s21+$0xD650];
	[tilespmem:s21+$0xD260] =	vst v6;
	v4 =	vmul.f32 $2.771281240e+01, v4  }
0x1d8: {  	v59 =	vld [tilespmem:s21+$0xD660];
	[tilespmem:s21+$0xD270] =	vst v7;
	v3 =	vmul.f32 $2.771281240e+01, v3  }
0x1d9: {  	v61 =	vld [tilespmem:s21+$0xD670];
	[tilespmem:s21+$0xD600] =	vst v4;
	v60 =	vmul.f32 $2.771281240e+01, v5  }
0x1da: {  	[tilespmem:s21+$0xD610] =	vst v3;
	v3 =	vmul.f32 $2.771281240e+01, v56  }
0x1db: {  	v62 =	vmul.f32 $2.771281240e+01, v57;
	[tilespmem:s21+$0xD620] =	vst v60  }
0x1dc: {  	[tilespmem:s21+$0xD630] =	vst v3;
	v3 =	vmul.f32 $2.771281240e+01, v58  }
0x1dd: {  	v63 =	vmul.f32 $2.771281240e+01, v59;
	[tilespmem:s21+$0xD640] =	vst v62  }
0x1de: {  	[tilespmem:s21+$0xD650] =	vst v3;
	v3 =	vmul.f32 $2.771281240e+01, v61  }
0x1df: {  	[tilespmem:s21+$0xD660] =	vst v63  }
.Ltmp5:
0x1e0: {  	s20 =	sadd.s32 s10, s20;
	[tilespmem:s21+$0xD670] =	vst v3;
	(pc) =	sbr.rel @p0 .LBB2_10-.Ltmp5, $4  }
0x1e1: {  	[hbm4b:s20+s4] =	stream.linear.scatter [tilespmem:s15], [sflag:$0x2], $0xC000, $0x38;
	[tilespmem:$0x18200] =	vst v63  }
0x1e2: {  	_ =	swait.ge [sflag:s13], $0xC000  }
0x1e3: {  	[sflag:s13] =	ssyncset.done $0x0  }
0x1e4: {  	[sflag:s13] =	ssyncadd.s32 $0xFFFF4000  }
0x1e5: {  	v3 =	vld [tilespmem:s19+$0xC0];
	_ =	sdelay $0x4  }
0x1e6: {  	v4 =	vshrl.u32 v3, $0x3  }
0x1e7: {  	v4 =	vmul.u32 $0x30, v4  }
0x1e8: {  	v3 =	vand.u32 $0x7, v3  }
0x1e9: {  	v3 =	vor.u32 v3, v4  }
0x1ea: {  	v4 =	vperm.xlane v3, v0;
	_ =	sdelay $0x1  }
0x1eb: {  	v4 =	vadd.s32 v1, v4;
	_ =	sdelay $0x3  }
0x1ec: {  	v3 =	vperm.xlane v3, v2  }
0x1ed: {  	[tilespmem:s15], [sflag:$0x1] =	stream.indirect_vreg.gather [hbm4b:s1+s4], $0x80, v4, vm0, $0xb8;
	[tilespmem:$0x18200] =	vst v63  }
0x1ee: {  	s20 =	simm.s32 $0xCA00;
	v3 =	vadd.s32 v1, v3  }
0x1ef: {  	[tilespmem:s20], [sflag:$0x1] =	stream.indirect_vreg.gather [hbm4b:s7+s4], $0x80, v4, vm0, $0xb8;
	[tilespmem:$0x18200] =	vst v63  }
0x1f0: {  	s22 =	simm.s32 $0xD200  }
0x1f1: {  	[tilespmem:s22], [sflag:$0x1] =	stream.indirect_vreg.gather [hbm4b:s8+s4], $0x80, v4, vm0, $0xb8;
	[tilespmem:$0x18200] =	vst v63  }
0x1f2: {  	s23 =	simm.s32 $0xDA00  }
0x1f3: {  	[tilespmem:s23], [sflag:$0x1] =	stream.indirect_vreg.gather [hbm4b:s1+s4], $0x80, v3, vm0, $0xb8;
	[tilespmem:$0x18200] =	vst v63  }
0x1f4: {  	s24 =	simm.s32 $0xE200  }
0x1f5: {  	[tilespmem:s24], [sflag:$0x1] =	stream.indirect_vreg.gather [hbm4b:s7+s4], $0x80, v3, vm0, $0xb8;
	[tilespmem:$0x18200] =	vst v63  }
0x1f6: {  	s25 =	simm.s32 $0xEA00  }
0x1f7: {  	[tilespmem:s25], [sflag:$0x1] =	stream.indirect_vreg.gather [hbm4b:s8+s4], $0x80, v3, vm0, $0xb8;
	[tilespmem:$0x18200] =	vst v63  }
0x1f8: {  	v3 =	vld [tilespmem:s19+$0xD0];
	_ =	sdelay $0x4  }
0x1f9: {  	v61 =	vshrl.u32 v3, $0x3  }
0x1fa: {  	v4 =	vmul.u32 $0x30, v61  }
0x1fb: {  	v3 =	vand.u32 $0x7, v3  }
0x1fc: {  	v3 =	vor.u32 v3, v4  }
0x1fd: {  	v4 =	vperm.xlane v3, v0;
	_ =	sdelay $0x1  }
0x1fe: {  	v4 =	vadd.s32 v1, v4;
	_ =	sdelay $0x3  }
0x1ff: {  	s21 =	simm.s32 $0xF200;
	v3 =	vperm.xlane v3, v2  }
0x200: {  	[tilespmem:s21], [sflag:$0x1] =	stream.indirect_vreg.gather [hbm4b:s1+s4], $0x80, v4, vm0, $0xb8;
	[tilespmem:$0x18200] =	vst v63  }
0x201: {  	s22 =	simm.s32 $0xFA00;
	v3 =	vadd.s32 v1, v3  }
0x202: {  	[tilespmem:s22], [sflag:$0x1] =	stream.indirect_vreg.gather [hbm4b:s7+s4], $0x80, v4, vm0, $0xb8;
	[tilespmem:$0x18200] =	vst v63  }
0x203: {  	s23 =	simm.s32 $0x10200  }
0x204: {  	[tilespmem:s23], [sflag:$0x1] =	stream.indirect_vreg.gather [hbm4b:s8+s4], $0x80, v4, vm0, $0xb8;
	[tilespmem:$0x18200] =	vst v63  }
0x205: {  	s24 =	simm.s32 $0x10A00  }
0x206: {  	[tilespmem:s24], [sflag:$0x1] =	stream.indirect_vreg.gather [hbm4b:s1+s4], $0x80, v3, vm0, $0xb8;
	[tilespmem:$0x18200] =	vst v63  }
0x207: {  	s25 =	simm.s32 $0x11200  }
0x208: {  	[tilespmem:s25], [sflag:$0x1] =	stream.indirect_vreg.gather [hbm4b:s7+s4], $0x80, v3, vm0, $0xb8;
	[tilespmem:$0x18200] =	vst v63  }
0x209: {  	_ = 	snop  }
0x20a: {  	[tilespmem:s26], [sflag:$0x1] =	stream.indirect_vreg.gather [hbm4b:s8+s4], $0x80, v3, vm0, $0xb8;
	[tilespmem:$0x18200] =	vst v63  }
0x20b: {  	v3 =	vld [tilespmem:s19+$0xE0];
	_ =	sdelay $0x4  }
0x20c: {  	v62 =	vshrl.u32 v3, $0x3  }
0x20d: {  	v4 =	vmul.u32 $0x30, v62  }
0x20e: {  	v3 =	vand.u32 $0x7, v3  }
0x20f: {  	v3 =	vor.u32 v3, v4  }
0x210: {  	v4 =	vperm.xlane v3, v0;
	_ =	sdelay $0x1  }
0x211: {  	v4 =	vadd.s32 v1, v4;
	_ =	sdelay $0x3  }
0x212: {  	v3 =	vperm.xlane v3, v2  }
0x213: {  	[tilespmem:s28], [sflag:$0x1] =	stream.indirect_vreg.gather [hbm4b:s1+s4], $0x80, v4, vm0, $0xb8;
	[tilespmem:$0x18200] =	vst v63  }
0x214: {  	v3 =	vadd.s32 v1, v3  }
0x215: {  	[tilespmem:s29], [sflag:$0x1] =	stream.indirect_vreg.gather [hbm4b:s7+s4], $0x80, v4, vm0, $0xb8;
	[tilespmem:$0x18200] =	vst v63  }
0x216: {  	_ = 	snop  }
0x217: {  	[tilespmem:s30], [sflag:$0x1] =	stream.indirect_vreg.gather [hbm4b:s8+s4], $0x80, v4, vm0, $0xb8;
	[tilespmem:$0x18200] =	vst v63  }
0x218: {  	_ = 	snop  }
0x219: {  	[tilespmem:s31], [sflag:$0x1] =	stream.indirect_vreg.gather [hbm4b:s1+s4], $0x80, v3, vm0, $0xb8;
	[tilespmem:$0x18200] =	vst v63  }
0x21a: {  	_ = 	snop  }
0x21b: {  	[tilespmem:s0], [sflag:$0x1] =	stream.indirect_vreg.gather [hbm4b:s7+s4], $0x80, v3, vm0, $0xb8;
	[tilespmem:$0x18200] =	vst v63  }
0x21c: {  	_ = 	snop  }
0x21d: {  	[tilespmem:s3], [sflag:$0x1] =	stream.indirect_vreg.gather [hbm4b:s8+s4], $0x80, v3, vm0, $0xb8;
	[tilespmem:$0x18200] =	vst v63  }
0x21e: {  	v3 =	vld [tilespmem:s19+$0xF0];
	_ =	sdelay $0x4  }
0x21f: {  	v63 =	vshrl.u32 v3, $0x3  }
0x220: {  	v4 =	vmul.u32 $0x30, v63  }
0x221: {  	v3 =	vand.u32 $0x7, v3  }
0x222: {  	v3 =	vor.u32 v3, v4  }
0x223: {  	v4 =	vperm.xlane v3, v0;
	_ =	sdelay $0x1  }
0x224: {  	v4 =	vadd.s32 v1, v4;
	_ =	sdelay $0x3  }
0x225: {  	v3 =	vperm.xlane v3, v2  }
0x226: {  	[tilespmem:s11], [sflag:$0x1] =	stream.indirect_vreg.gather [hbm4b:s1+s4], $0x80, v4, vm0, $0xb8;
	[tilespmem:$0x18200] =	vst v63  }
0x227: {  	v3 =	vadd.s32 v1, v3  }
0x228: {  	[tilespmem:s6], [sflag:$0x1] =	stream.indirect_vreg.gather [hbm4b:s7+s4], $0x80, v4, vm0, $0xb8;
	[tilespmem:$0x18200] =	vst v63  }
0x229: {  	_ = 	snop  }
0x22a: {  	[tilespmem:s9], [sflag:$0x1] =	stream.indirect_vreg.gather [hbm4b:s8+s4], $0x80, v4, vm0, $0xb8;
	[tilespmem:$0x18200] =	vst v63  }
0x22b: {  	_ = 	snop  }
0x22c: {  	[tilespmem:s14], [sflag:$0x1] =	stream.indirect_vreg.gather [hbm4b:s1+s4], $0x80, v3, vm0, $0xb8;
	[tilespmem:$0x18200] =	vst v63  }
.Ltmp6:
0x22d: {  	_ = 	snop;
	(pc) =	sbr.rel .LBB2_2-.Ltmp6, $4  }
0x22e: {  	_ = 	snop  }
0x22f: {  	[tilespmem:s2], [sflag:$0x1] =	stream.indirect_vreg.gather [hbm4b:s7+s4], $0x80, v3, vm0, $0xb8;
	[tilespmem:$0x18200] =	vst v63  }
0x230: {  	s18 =	sadd.s32 $0x1, s18  }
0x231: {  	[tilespmem:s16], [sflag:$0x1] =	stream.indirect_vreg.gather [hbm4b:s8+s4], $0x80, v3, vm0, $0xb8;
	[tilespmem:$0x18200] =	vst v63  }
.LBB2_11:
0x232: {  	_ =	sfence.sel $0x180000  }
0x233: {  	[bflag:$0x0] =	sbarrier.arrive $0xFFFF  }
0x234: {  	_ =	strace $0x90000047  }
0x235: {  	s0 =	stileid.u32;
	[bflag:$0x2] =	sbarrier.arrive $0xFFFF  }
0x236: {  	p0 =	sne.s32 s0, $0x0;
	s0 =	rddreg [dreg:$0x3]  }
0x237: {  	s0 =	sadd.s32 @!p0 $0x100000, s0  }
0x238: {  	[sflag:s0] =	ssyncadd.tile.s32 @!p0 $0x1;
	_ =	shalt  }
.Lfunc_end2:
_tile_overlayer_lowered:
.L_overlay_start_2:
0x239: {  	(tag) =	ssettag $0x2  }
0x23a: {  	s0 =	rddreg [dreg:$0x0];
	s2 =	stileid.u32  }
0x23b: {  	s1 =	rddreg [dreg:$0x1];
	p0 =	sne.s32 s2, $0x0  }
0x23c: {  	s3 =	rddreg [dreg:$0x2];
	[bflag:$0x3] =	sbarrier.arrive $0xFFFF;
	s2 =	simm.s32 @!p0 $0x1C02  }
0x23d: {  	[timem:s3], [sflag:s2] =	dma.local @!p0 [hbm:s0], s1  }
0x23e: {  	s0 =	simm.s32 @!p0 $0x2  }
0x23f: {  	_ =	swait.ge @!p0 [sflag:s0], s1  }
0x240: {  	s1 =	ssub.s32 @!p0 $0x0, s1;
	[sflag:s0] =	ssyncset.done @!p0 $0x0  }
0x241: {  	[sflag:s0] =	ssyncadd.s32 @!p0 s1  }
0x242: {  	[bflag:$0x3] =	sbarrier.arrive $0xFFFF  }
0x243: {  	_ =	shalt  }

</sc_bundles>
